<compile_context>
chip_gen: v7x
topology: tpu7x:2x2x1
jax: 0.10.2.dev20260603
libtpu: 0.0.44.dev20260713+nightly
codegen_flags: <defaults>
</compile_context>

<pallas_src>
import jax
import jax.numpy as jnp
from jax import lax
from jax.experimental import pallas as pl
from jax.experimental.pallas import tpu as pltpu
from jax.experimental.pallas import tpu_sc as plsc

SEQ = 2048
DIM = 2048
HID = 8192
T = 512
NROW = SEQ // T
NT = NROW + 1
HB = 512
NH = HID // HB

NC = 2
NS = 16
NW = NC * NS
RPW = SEQ // NW



def _router_body(x_ref, wr_ref, e_ref, w_ref):
    logits = lax.dot_general(x_ref[...], wr_ref[...],
                             (((1,), (1,)), ((), ())),
                             preferred_element_type=jnp.float32)
    d = logits[:, 1:2] - logits[:, 0:1]
    e_ref[...] = (d > 0).astype(jnp.int32)
    w_ref[...] = jax.nn.sigmoid(jnp.abs(d))


def _router(x_flat, Wr):
    e, w = pl.pallas_call(
        _router_body,
        grid=(NROW,),
        in_specs=[
            pl.BlockSpec((T, DIM), lambda i: (i, 0)),
            pl.BlockSpec((2, DIM), lambda i: (0, 0)),
        ],
        out_specs=[
            pl.BlockSpec((T, 1), lambda i: (i, 0)),
            pl.BlockSpec((T, 1), lambda i: (i, 0)),
        ],
        out_shape=[
            jax.ShapeDtypeStruct((SEQ, 1), jnp.int32),
            jax.ShapeDtypeStruct((SEQ, 1), jnp.float32),
        ],
    )(x_flat, Wr)
    return e.reshape(SEQ), w.reshape(SEQ)



def _sc_gather_body(e_hbm, w_hbm, x_hbm,
                    xs_hbm, ws_hbm, perm_hbm, n0_hbm,
                    e_v, w_v, r0_v, perm_v, wsbuf_v, xbuf_v, n0_v, sem):
    cid = lax.axis_index("c")
    sid = lax.axis_index("s")
    wid = sid * NC + cid

    pltpu.sync_copy(e_hbm, e_v)
    pltpu.sync_copy(w_hbm, w_v)

    def p1(i, c0):
        seg = e_v[pl.ds(i * 16, 16)]
        is0 = jnp.where(seg == 0, 1, 0).astype(jnp.int32)
        cs0 = plsc.cumsum(is0)
        r0_v[pl.ds(i * 16, 16)] = c0 + cs0 - 1
        return c0 + cs0[15]

    n0 = lax.fori_loop(0, SEQ // 16, p1, jnp.int32(0))

    def p2(i, _):
        seg = e_v[pl.ds(i * 16, 16)]
        r0 = r0_v[pl.ds(i * 16, 16)]
        tok = lax.iota(jnp.int32, 16) + i * 16
        inv = jnp.where(seg == 0, r0, n0 + tok - r0 - 1)
        plsc.store_scatter(perm_v, [inv], tok)
        return 0

    lax.fori_loop(0, SEQ // 16, p2, 0)

    base = wid * RPW

    def p3(k, _):
        idx = perm_v[pl.ds(base + k * 16, 16)]
        wsbuf_v[pl.ds(k * 16, 16)] = plsc.load_gather(w_v, [idx])
        return 0

    lax.fori_loop(0, RPW // 16, p3, 0)
    pltpu.sync_copy(wsbuf_v, ws_hbm.at[pl.ds(base, RPW)])

    nch = RPW // 16
    cps = [None] * nch
    cps[0] = pltpu.async_copy(
        x_hbm.at[perm_v.at[pl.ds(base, 16)]], xbuf_v.at[0], sem.at[0])
    for c in range(nch):
        if c + 1 < nch:
            cps[c + 1] = pltpu.async_copy(
                x_hbm.at[perm_v.at[pl.ds(base + (c + 1) * 16, 16)]],
                xbuf_v.at[(c + 1) % 2], sem.at[(c + 1) % 2])
        cps[c].wait()
        pltpu.sync_copy(xbuf_v.at[c % 2], xs_hbm.at[pl.ds(base + c * 16, 16)])

    @pl.when(wid == 0)
    def _():
        pltpu.sync_copy(perm_v, perm_hbm)
        n0_v[...] = jnp.full((16,), n0, jnp.int32)
        pltpu.sync_copy(n0_v, n0_hbm)


def _sc_gather(e, w, x_flat):
    mesh = plsc.VectorSubcoreMesh(core_axis_name="c", subcore_axis_name="s")
    fn = pl.kernel(
        _sc_gather_body,
        compiler_params=pltpu.CompilerParams(needs_layout_passes=False),
        out_type=(
            jax.ShapeDtypeStruct((SEQ, DIM), jnp.float32),
            jax.ShapeDtypeStruct((SEQ,), jnp.float32),
            jax.ShapeDtypeStruct((SEQ,), jnp.int32),
            jax.ShapeDtypeStruct((16,), jnp.int32),
        ),
        mesh=mesh,
        scratch_types=[
            pltpu.VMEM((SEQ,), jnp.int32),
            pltpu.VMEM((SEQ,), jnp.float32),
            pltpu.VMEM((SEQ,), jnp.int32),
            pltpu.VMEM((SEQ,), jnp.int32),
            pltpu.VMEM((RPW,), jnp.float32),
            pltpu.VMEM((2, 16, DIM), jnp.float32),
            pltpu.VMEM((16,), jnp.int32),
            pltpu.SemaphoreType.DMA((2,)),
        ],
    )
    return fn(e, w, x_flat)



NSEG = 2 * NH


def _ffn_body(se_ref, sh_ref, nt_ref, tb_ref, rs_ref, init_ref,
              x_ref, wfc_ref, wpj_ref, wt_ref, o_ref):
    s = pl.program_id(0)
    ish0 = sh_ref[s] == 0
    tb = tb_ref[s]
    rs = rs_ref[s]

    def tile(j, carry):
        base = jnp.minimum(rs + j, NROW - 1) * T
        gt = tb + j

        @pl.when(ish0 & (init_ref[gt] == 1))
        def _():
            o_ref[pl.ds(base, T), :] = jnp.zeros((T, DIM), jnp.float32)

        hm = lax.dot_general(x_ref[pl.ds(base, T), :], wfc_ref[0],
                             (((1,), (1,)), ((), ())),
                             preferred_element_type=jnp.float32)
        hm = jnp.where(hm > 0, hm, 0.5 * hm)
        hm = hm * hm
        hm = hm * wt_ref[gt]
        o_ref[pl.ds(base, T), :] += lax.dot_general(hm, wpj_ref[0],
                                                    (((1,), (1,)), ((), ())),
                                                    preferred_element_type=jnp.float32)
        return carry

    lax.fori_loop(0, nt_ref[s], tile, 0)


def _ffn(xs, Wfc, Wproj, wtile, se, sh, snt, stb, srs, init):
    grid_spec = pltpu.PrefetchScalarGridSpec(
        num_scalar_prefetch=6,
        grid=(NSEG,),
        in_specs=[
            pl.BlockSpec((SEQ, DIM), lambda s, se, sh, *_: (0, 0)),
            pl.BlockSpec((1, HB, DIM), lambda s, se, sh, *_: (se[s], sh[s], 0)),
            pl.BlockSpec((1, DIM, HB), lambda s, se, sh, *_: (se[s], 0, sh[s])),
            pl.BlockSpec((NT, T, 1), lambda s, se, sh, *_: (0, 0, 0)),
        ],
        out_specs=pl.BlockSpec((SEQ, DIM), lambda s, se, sh, *_: (0, 0)),
    )
    return pl.pallas_call(
        _ffn_body,
        grid_spec=grid_spec,
        out_shape=jax.ShapeDtypeStruct((SEQ, DIM), jnp.float32),
        compiler_params=pltpu.CompilerParams(
            vmem_limit_bytes=112 * 1024 * 1024),
    )(se, sh, snt, stb, srs, init, xs, Wfc, Wproj, wtile)



def _sc_scatter_body(ys_hbm, perm3_hbm, out_hbm, idx_v, buf_v, rsem, wsem):
    cid = lax.axis_index("c")
    sid = lax.axis_index("s")
    wid = sid * NC + cid
    base = wid * RPW
    nch = RPW // 16

    pltpu.sync_copy(perm3_hbm.at[wid], idx_v)
    rds = [None] * nch
    wrs = [None] * nch
    rds[0] = pltpu.async_copy(
        ys_hbm.at[pl.ds(base, 16)], buf_v.at[0], rsem.at[0])
    for c in range(nch):
        if c >= 1:
            wrs[c - 1].wait()
        if c + 1 < nch:
            rds[c + 1] = pltpu.async_copy(
                ys_hbm.at[pl.ds(base + (c + 1) * 16, 16)],
                buf_v.at[(c + 1) % 2], rsem.at[(c + 1) % 2])
        rds[c].wait()
        wrs[c] = pltpu.async_copy(
            buf_v.at[c % 2], out_hbm.at[idx_v.at[c]], wsem.at[c % 2])
    wrs[nch - 1].wait()


def _sc_scatter(ys, perm):
    mesh = plsc.VectorSubcoreMesh(core_axis_name="c", subcore_axis_name="s")
    fn = pl.kernel(
        _sc_scatter_body,
        out_type=jax.ShapeDtypeStruct((SEQ, DIM), jnp.float32),
        mesh=mesh,
        scratch_types=[
            pltpu.VMEM((RPW // 16, 16), jnp.int32),
            pltpu.VMEM((2, 16, DIM), jnp.float32),
            pltpu.SemaphoreType.DMA((2,)),
            pltpu.SemaphoreType.DMA((2,)),
        ],
    )
    return fn(ys, perm.reshape(NW, RPW // 16, 16))



def _tile_meta(n0, ws):
    q = n0 // T
    r = n0 % T
    t0 = q + (r > 0).astype(jnp.int32)
    ti = jnp.arange(NT, dtype=jnp.int32)
    is_e0 = ti < t0
    row = jnp.where(is_e0, ti, jnp.minimum(q + (ti - t0), NROW - 1))
    expid = jnp.where(is_e0, 0, 1).astype(jnp.int32)
    n_real = NROW + (r > 0).astype(jnp.int32)
    valid = ti < n_real
    overlap = (ti == t0) & (r > 0)
    dummy = ~valid
    init = jnp.where(overlap | dummy, 0, 1).astype(jnp.int32)

    pos = row[:, None] * T + jnp.arange(T, dtype=jnp.int32)[None, :]
    wv = jnp.take(ws, pos.reshape(-1)).reshape(NT, T)
    emask = jnp.where(is_e0[:, None], pos < n0, pos >= n0)
    wtile = (wv * (emask & valid[:, None])).reshape(NT, T, 1)

    si = jnp.arange(NSEG, dtype=jnp.int32)
    sh = si // 2
    se = si % 2
    snt = jnp.where(se == 0, t0, NT - t0).astype(jnp.int32)
    stb = jnp.where(se == 0, 0, t0).astype(jnp.int32)
    srs = jnp.where(se == 0, 0, jnp.minimum(q, NROW - 1)).astype(jnp.int32)
    return se, sh, snt, stb, srs, init, wtile


@jax.jit
def kernel(x, Wr, Wfc, Wproj):
    bsz, seq, dim = x.shape
    x_flat = x.reshape(seq, dim)

    e, w = _router(x_flat, Wr)
    xs, ws, perm, n0_arr = _sc_gather(e, w, x_flat)
    se, sh, snt, stb, srs, init, wtile = _tile_meta(n0_arr[0], ws)
    ys = _ffn(xs, Wfc, Wproj, wtile, se, sh, snt, stb, srs, init)
    out = _sc_scatter(ys, perm)
    return out.reshape(bsz, seq, dim)

# --- scband reference (transcript-rebuilt; emitter-appended) ---
"""Pipeline reference for scband-mo-emlp-72258529788599 (READ-ONLY COPY).

The authoritative reference and input builder live on the scoring server;
editing this copy changes nothing except your own understanding.
"""

import jax, jax.numpy as jnp
import numpy as np

DIM = 2048
MLP_MULT = 4
NUM_EXPERTS = 2
HIDDEN = MLP_MULT * DIM
BATCH = 1
SEQ = 2048


def setup_inputs(seed: int = 0) -> dict:
    key = jax.random.key(seed)
    k_x, k_r, k_fc, k_pr = jax.random.split(key, 4)
    x = jax.random.normal(k_x, (BATCH, SEQ, DIM), dtype=jnp.float32)
    # router: nn.Linear(dim, num_experts, bias=False) -> weight [E, dim]
    Wr = jax.random.normal(k_r, (NUM_EXPERTS, DIM), dtype=jnp.float32) * (1.0 / np.sqrt(DIM))
    # experts_fc: CastedLinear(dim, hidden, bias=False) -> weight [hidden, dim], stacked over experts
    Wfc = jax.random.normal(k_fc, (NUM_EXPERTS, HIDDEN, DIM), dtype=jnp.float32) * (1.0 / np.sqrt(DIM))
    # experts_proj: CastedLinear(hidden, dim, bias=False) -> weight [dim, hidden], stacked over experts
    Wproj = jax.random.normal(k_pr, (NUM_EXPERTS, DIM, HIDDEN), dtype=jnp.float32) * (1.0 / np.sqrt(HIDDEN))
    return {"x": x, "Wr": Wr, "Wfc": Wfc, "Wproj": Wproj}


def reference(x, Wr, Wfc, Wproj):
    bsz, seq, dim = x.shape
    num_experts = Wr.shape[0]
    x_flat = x.reshape(-1, dim)
    # router logits + softmax
    logits = x_flat @ Wr.T
    probs = jax.nn.softmax(logits, axis=-1)
    # top-1 routing
    top_idx = jnp.argmax(probs, axis=-1)
    top_weight = jnp.take_along_axis(probs, top_idx[:, None], axis=1)[:, 0]
    out = jnp.zeros_like(x_flat)
    for e in range(num_experts):
        mask = (top_idx == e).astype(x_flat.dtype)[:, None]
        h = x_flat @ Wfc[e].T
        # leaky_relu(negative_slope=0.5) then square
        h = jnp.where(h > 0, h, 0.5 * h)
        h = h * h
        expert_out = h @ Wproj[e].T
        out = out + mask * expert_out * top_weight[:, None]
    return out.reshape(bsz, seq, dim)

if __name__ == "__main__":
    import jax
    _d = setup_inputs()
    print(jax.jit(kernel)(*tuple(_d.values())))

</pallas_src>

<mosaic_0001>
#map = affine_map<(d0, d1) -> (0)>
#map1 = affine_map<(d0, d1) -> (0, 0)>
module attributes {stable_mosaic.version = 14 : i64} {
  func.func @_sc_gather_body(%arg0: i32, %arg1: i32, %arg2: memref<2048xi32, #tpu.memory_space<hbm>>, %arg3: memref<2048xf32, #tpu.memory_space<hbm>>, %arg4: memref<2048x2048xf32, #tpu.memory_space<hbm>>, %arg5: memref<2048x2048xf32, #tpu.memory_space<hbm>>, %arg6: memref<2048xf32, #tpu.memory_space<hbm>>, %arg7: memref<2048xi32, #tpu.memory_space<hbm>>, %arg8: memref<16xi32, #tpu.memory_space<hbm>>, %arg9: memref<2048xi32, #tpu.memory_space<vmem>>, %arg10: memref<2048xf32, #tpu.memory_space<vmem>>, %arg11: memref<2048xi32, #tpu.memory_space<vmem>>, %arg12: memref<2048xi32, #tpu.memory_space<vmem>>, %arg13: memref<64xf32, #tpu.memory_space<vmem>>, %arg14: memref<2x16x2048xf32, #tpu.memory_space<vmem>>, %arg15: memref<16xi32, #tpu.memory_space<vmem>>, %arg16: memref<2x!tpu.dma_semaphore, #tpu.memory_space<semaphore_mem>>) attributes {dimension_semantics = [#tpu.dimension_semantics<core_parallel>, #tpu.dimension_semantics<subcore_parallel>], iteration_bounds = array<i64: 2, 16>, scalar_prefetch = 0 : i64, scratch_operands = 8 : i64, tpu.core_type = #tpu.core_type<sc_vector_subcore>, window_params = [{transform_indices = #map}, {transform_indices = #map}, {transform_indices = #map1}, {transform_indices = #map1}, {transform_indices = #map}, {transform_indices = #map}, {transform_indices = #map}]} {
    %mul3A = arith.constant 2 : i32
    %mul3A_0 = arith.muli %arg1, %mul3A : i32
    %add3A = arith.addi %mul3A_0, %arg0 : i32
    "tpu.region"() ({
      %run_scoped3A_136 = tpu.sem_alloc : memref<!tpu.dma_semaphore, #tpu.memory_space<semaphore_mem>>
      tpu.enqueue_dma source(%arg2 : memref<2048xi32, #tpu.memory_space<hbm>>) target(%arg9 : memref<2048xi32, #tpu.memory_space<vmem>>) target_semaphore(%run_scoped3A_136 : memref<!tpu.dma_semaphore, #tpu.memory_space<semaphore_mem>>)
      tpu.wait_dma2 semaphore(%run_scoped3A_136 : memref<!tpu.dma_semaphore, #tpu.memory_space<semaphore_mem>>) src(%arg2 : memref<2048xi32, #tpu.memory_space<hbm>>) dst(%arg9 : memref<2048xi32, #tpu.memory_space<vmem>>)
      tpu.yield
    }) : () -> ()
    "tpu.region"() ({
      %run_scoped3A_136 = tpu.sem_alloc : memref<!tpu.dma_semaphore, #tpu.memory_space<semaphore_mem>>
      tpu.enqueue_dma source(%arg3 : memref<2048xf32, #tpu.memory_space<hbm>>) target(%arg10 : memref<2048xf32, #tpu.memory_space<vmem>>) target_semaphore(%run_scoped3A_136 : memref<!tpu.dma_semaphore, #tpu.memory_space<semaphore_mem>>)
      tpu.wait_dma2 semaphore(%run_scoped3A_136 : memref<!tpu.dma_semaphore, #tpu.memory_space<semaphore_mem>>) src(%arg3 : memref<2048xf32, #tpu.memory_space<hbm>>) dst(%arg10 : memref<2048xf32, #tpu.memory_space<vmem>>)
      tpu.yield
    }) : () -> ()
    %scan3A = arith.constant 0 : i32
    %scan3A_1 = arith.constant 0 : i32
    %scan3A_2 = arith.constant 128 : i32
    %scan3A_3 = arith.addi %scan3A_1, %scan3A_2 : i32
    %scan3A_4 = arith.constant 1 : i32
    %scan3A_5 = scf.for %scan3A_136 = %scan3A_1 to %scan3A_3 step %scan3A_4 iter_args(%scan3A_137 = %scan3A) -> (i32)  : i32 {
      %mul3A_138 = arith.constant 16 : i32
      %mul3A_139 = arith.muli %scan3A_136, %mul3A_138 : i32
      %get3A = arith.index_cast %mul3A_139 : i32 to index
      %get3A_140 = tpu.vector_load %arg9[%get3A] {strides = array<i32>} : memref<2048xi32, #tpu.memory_space<vmem>>, vector<16xi32>,
      %eq3A_141 = arith.constant 0 : i32
      %eq3A_142 = vector.broadcast %eq3A_141 : i32 to vector<16xi32>
      %eq3A_143 = arith.cmpi eq, %get3A_140, %eq3A_142 : vector<16xi32>
      %jit3A = arith.constant 1 : i32
      %jit3A_144 = arith.constant 0 : i32
      %broadcast_in_dim3A = vector.broadcast %jit3A : i32 to vector<16xi32>
      %broadcast_in_dim3A_145 = vector.broadcast %jit3A_144 : i32 to vector<16xi32>
      %select_n3A = arith.select %eq3A_143, %broadcast_in_dim3A, %broadcast_in_dim3A_145 : vector<16xi1>, vector<16xi32>
      %broadcast_in_dim3A_146 = arith.constant true
      %broadcast_in_dim3A_147 = vector.broadcast %broadcast_in_dim3A_146 : i1 to vector<16xi1>
      %masked_cumsum3A = tpu.scan <sum>, %select_n3A masked %broadcast_in_dim3A_147 : vector<16xi32>, vector<16xi1> -> vector<16xi32>
      %add3A_148 = vector.broadcast %scan3A_137 : i32 to vector<16xi32>
      %add3A_149 = arith.addi %add3A_148, %masked_cumsum3A : vector<16xi32>
      %sub3A = arith.constant 1 : i32
      %sub3A_150 = vector.broadcast %sub3A : i32 to vector<16xi32>
      %sub3A_151 = arith.subi %add3A_149, %sub3A_150 : vector<16xi32>
      %mul3A_152 = arith.constant 16 : i32
      %mul3A_153 = arith.muli %scan3A_136, %mul3A_152 : i32
      %swap3A = arith.index_cast %mul3A_153 : i32 to index
      %swap3A_154 = tpu.vector_load %arg11[%swap3A] {strides = array<i32>} : memref<2048xi32, #tpu.memory_space<vmem>>, vector<16xi32>,
      tpu.vector_store %arg11[%swap3A], %sub3A_151 {strides = array<i32>} : memref<2048xi32, #tpu.memory_space<vmem>>, vector<16xi32>,
      %slice3A = vector.extract_strided_slice %masked_cumsum3A {offsets = [15], sizes = [1], strides = [1]} : vector<16xi32> to vector<1xi32>
      %squeeze3A = vector.extract %slice3A[0] : i32 from vector<1xi32>
      %add3A_155 = arith.addi %scan3A_137, %squeeze3A : i32
      scf.yield %add3A_155 : i32
    }
    %scan3A_6 = arith.constant 128 : i32
    %scan3A_7 = arith.constant 0 : i32
    %scan3A_8 = arith.constant 0 : i32
    %scan3A_9 = arith.constant 128 : i32
    %scan3A_10 = arith.addi %scan3A_8, %scan3A_9 : i32
    %scan3A_11 = arith.constant 1 : i32
    %scan3A_12 = scf.for %scan3A_136 = %scan3A_8 to %scan3A_10 step %scan3A_11 iter_args(%scan3A_137 = %scan3A_7) -> (i32)  : i32 {
      %mul3A_138 = arith.constant 16 : i32
      %mul3A_139 = arith.muli %scan3A_136, %mul3A_138 : i32
      %get3A = arith.index_cast %mul3A_139 : i32 to index
      %get3A_140 = tpu.vector_load %arg9[%get3A] {strides = array<i32>} : memref<2048xi32, #tpu.memory_space<vmem>>, vector<16xi32>,
      %mul3A_141 = arith.constant 16 : i32
      %mul3A_142 = arith.muli %scan3A_136, %mul3A_141 : i32
      %get3A_143 = arith.index_cast %mul3A_142 : i32 to index
      %get3A_144 = tpu.vector_load %arg11[%get3A_143] {strides = array<i32>} : memref<2048xi32, #tpu.memory_space<vmem>>, vector<16xi32>,
      %iota3A = tpu.iota {dimensions = array<i32: 0>} : vector<16xi32>
      %mul3A_145 = arith.constant 16 : i32
      %mul3A_146 = arith.muli %scan3A_136, %mul3A_145 : i32
      %add3A_147 = vector.broadcast %mul3A_146 : i32 to vector<16xi32>
      %add3A_148 = arith.addi %iota3A, %add3A_147 : vector<16xi32>
      %eq3A_149 = arith.constant 0 : i32
      %eq3A_150 = vector.broadcast %eq3A_149 : i32 to vector<16xi32>
      %eq3A_151 = arith.cmpi eq, %get3A_140, %eq3A_150 : vector<16xi32>
      %add3A_152 = vector.broadcast %scan3A_5 : i32 to vector<16xi32>
      %add3A_153 = arith.addi %add3A_152, %add3A_148 : vector<16xi32>
      %sub3A = arith.subi %add3A_153, %get3A_144 : vector<16xi32>
      %sub3A_154 = arith.constant 1 : i32
      %sub3A_155 = vector.broadcast %sub3A_154 : i32 to vector<16xi32>
      %sub3A_156 = arith.subi %sub3A, %sub3A_155 : vector<16xi32>
      %select_n3A = arith.select %eq3A_151, %get3A_144, %sub3A_156 : vector<16xi1>, vector<16xi32>
      tpu.vector_store_idx %arg12[%select_n3A], %add3A_148 : memref<2048xi32, #tpu.memory_space<vmem>>[vector<16xi32>], vector<16xi32>,
      %scan3A_157 = arith.constant 0 : i32
      scf.yield %scan3A_157 : i32
    }
    %scan3A_13 = arith.constant 128 : i32
    %mul3A_14 = arith.constant 64 : i32
    %mul3A_15 = arith.muli %add3A, %mul3A_14 : i32
    %scan3A_16 = arith.constant 0 : i32
    %scan3A_17 = arith.constant 0 : i32
    %scan3A_18 = arith.constant 4 : i32
    %scan3A_19 = arith.addi %scan3A_17, %scan3A_18 : i32
    %scan3A_20 = arith.constant 1 : i32
    %scan3A_21 = scf.for %scan3A_136 = %scan3A_17 to %scan3A_19 step %scan3A_20 iter_args(%scan3A_137 = %scan3A_16) -> (i32)  : i32 {
      %mul3A_138 = arith.constant 16 : i32
      %mul3A_139 = arith.muli %scan3A_136, %mul3A_138 : i32
      %add3A_140 = arith.addi %mul3A_15, %mul3A_139 : i32
      %get3A = arith.index_cast %add3A_140 : i32 to index
      %get3A_141 = tpu.vector_load %arg12[%get3A] {strides = array<i32>} : memref<2048xi32, #tpu.memory_space<vmem>>, vector<16xi32>,
      %gather3A = tpu.vector_load_idx %arg10[%get3A_141] : memref<2048xf32, #tpu.memory_space<vmem>>[vector<16xi32>], vector<16xf32>,
      %mul3A_142 = arith.constant 16 : i32
      %mul3A_143 = arith.muli %scan3A_136, %mul3A_142 : i32
      %swap3A = arith.index_cast %mul3A_143 : i32 to index
      %swap3A_144 = tpu.vector_load %arg13[%swap3A] {strides = array<i32>} : memref<64xf32, #tpu.memory_space<vmem>>, vector<16xf32>,
      tpu.vector_store %arg13[%swap3A], %gather3A {strides = array<i32>} : memref<64xf32, #tpu.memory_space<vmem>>, vector<16xf32>,
      %scan3A_145 = arith.constant 0 : i32
      scf.yield %scan3A_145 : i32
    }
    %scan3A_22 = arith.constant 4 : i32
    "tpu.region"() ({
      %run_scoped3A_136 = tpu.sem_alloc : memref<!tpu.dma_semaphore, #tpu.memory_space<semaphore_mem>>
      %dma_start3A_137 = tpu.memref_slice %arg6[%mul3A_15] : memref<2048xf32, #tpu.memory_space<hbm>> -> memref<64xf32, #tpu.memory_space<hbm>>
      %dma_start3A_138 = tpu.memref_slice %arg6[%mul3A_15] : memref<2048xf32, #tpu.memory_space<hbm>> -> memref<64xf32, #tpu.memory_space<hbm>>
      tpu.enqueue_dma source(%arg13 : memref<64xf32, #tpu.memory_space<vmem>>) target(%dma_start3A_138 : memref<64xf32, #tpu.memory_space<hbm>>) target_semaphore(%run_scoped3A_136 : memref<!tpu.dma_semaphore, #tpu.memory_space<semaphore_mem>>)
      %dma_wait3A_139 = tpu.memref_slice %arg6[%mul3A_15] : memref<2048xf32, #tpu.memory_space<hbm>> -> memref<64xf32, #tpu.memory_space<hbm>>
      %dma_wait3A_140 = tpu.memref_slice %arg6[%mul3A_15] : memref<2048xf32, #tpu.memory_space<hbm>> -> memref<64xf32, #tpu.memory_space<hbm>>
      tpu.wait_dma2 semaphore(%run_scoped3A_136 : memref<!tpu.dma_semaphore, #tpu.memory_space<semaphore_mem>>) src(%arg13 : memref<64xf32, #tpu.memory_space<vmem>>) dst(%dma_wait3A_140 : memref<64xf32, #tpu.memory_space<hbm>>)
      tpu.yield
    }) : () -> ()
    %dma_start3A = arith.constant 0 : i32
    %dma_start3A_23 = arith.constant 0 : i32
    %dma_start3A_24 = arith.constant 0 : i32
    %dma_start3A_25 = arith.constant 0 : i32
    %dma_start3A_26 = tpu.memref_slice %arg14[%dma_start3A, %dma_start3A_24, %dma_start3A_25] : memref<2x16x2048xf32, #tpu.memory_space<vmem>> -> memref<1x16x2048xf32, #tpu.memory_space<vmem>>
    %dma_start3A_27 = tpu.memref_squeeze %dma_start3A_26 : memref<1x16x2048xf32, #tpu.memory_space<vmem>> -> memref<16x2048xf32, #tpu.memory_space<vmem>>
    %dma_start3A_28 = tpu.memref_slice %arg12[%mul3A_15] : memref<2048xi32, #tpu.memory_space<vmem>> -> memref<16xi32, #tpu.memory_space<vmem>>
    %dma_start3A_29 = arith.constant 0 : i32
    %dma_start3A_30 = arith.constant 0 : i32
    %dma_start3A_31 = tpu.memref_slice %arg4[%dma_start3A_29, %dma_start3A_30] : memref<2048x2048xf32, #tpu.memory_space<hbm>> -> memref<2048x2048xf32, #tpu.memory_space<hbm>>
    %dma_start3A_32 = tpu.memref_slice %arg16[%dma_start3A_23] : memref<2x!tpu.dma_semaphore, #tpu.memory_space<semaphore_mem>> -> memref<1x!tpu.dma_semaphore, #tpu.memory_space<semaphore_mem>>
    %dma_start3A_33 = tpu.memref_squeeze %dma_start3A_32 : memref<1x!tpu.dma_semaphore, #tpu.memory_space<semaphore_mem>> -> memref<!tpu.dma_semaphore, #tpu.memory_space<semaphore_mem>>
    tpu.enqueue_indirect_dma source(%dma_start3A_31 : memref<2048x2048xf32, #tpu.memory_space<hbm>>) target(%dma_start3A_27 : memref<16x2048xf32, #tpu.memory_space<vmem>>) offsets(%dma_start3A_28 : memref<16xi32, #tpu.memory_space<vmem>>) semaphore(%dma_start3A_33 : memref<!tpu.dma_semaphore, #tpu.memory_space<semaphore_mem>>)
    %add3A_34 = arith.constant 16 : i32
    %add3A_35 = arith.addi %mul3A_15, %add3A_34 : i32
    %dma_start3A_36 = arith.constant 1 : i32
    %dma_start3A_37 = arith.constant 1 : i32
    %dma_start3A_38 = arith.constant 0 : i32
    %dma_start3A_39 = arith.constant 0 : i32
    %dma_start3A_40 = tpu.memref_slice %arg14[%dma_start3A_36, %dma_start3A_38, %dma_start3A_39] : memref<2x16x2048xf32, #tpu.memory_space<vmem>> -> memref<1x16x2048xf32, #tpu.memory_space<vmem>>
    %dma_start3A_41 = tpu.memref_squeeze %dma_start3A_40 : memref<1x16x2048xf32, #tpu.memory_space<vmem>> -> memref<16x2048xf32, #tpu.memory_space<vmem>>
    %dma_start3A_42 = tpu.memref_slice %arg12[%add3A_35] : memref<2048xi32, #tpu.memory_space<vmem>> -> memref<16xi32, #tpu.memory_space<vmem>>
    %dma_start3A_43 = arith.constant 0 : i32
    %dma_start3A_44 = arith.constant 0 : i32
    %dma_start3A_45 = tpu.memref_slice %arg4[%dma_start3A_43, %dma_start3A_44] : memref<2048x2048xf32, #tpu.memory_space<hbm>> -> memref<2048x2048xf32, #tpu.memory_space<hbm>>
    %dma_start3A_46 = tpu.memref_slice %arg16[%dma_start3A_37] : memref<2x!tpu.dma_semaphore, #tpu.memory_space<semaphore_mem>> -> memref<1x!tpu.dma_semaphore, #tpu.memory_space<semaphore_mem>>
    %dma_start3A_47 = tpu.memref_squeeze %dma_start3A_46 : memref<1x!tpu.dma_semaphore, #tpu.memory_space<semaphore_mem>> -> memref<!tpu.dma_semaphore, #tpu.memory_space<semaphore_mem>>
    tpu.enqueue_indirect_dma source(%dma_start3A_45 : memref<2048x2048xf32, #tpu.memory_space<hbm>>) target(%dma_start3A_41 : memref<16x2048xf32, #tpu.memory_space<vmem>>) offsets(%dma_start3A_42 : memref<16xi32, #tpu.memory_space<vmem>>) semaphore(%dma_start3A_47 : memref<!tpu.dma_semaphore, #tpu.memory_space<semaphore_mem>>)
    %dma_wait3A = arith.constant 0 : i32
    %dma_wait3A_48 = arith.constant 0 : i32
    %dma_wait3A_49 = arith.constant 0 : i32
    %dma_wait3A_50 = arith.constant 0 : i32
    %dma_wait3A_51 = tpu.memref_slice %arg14[%dma_wait3A, %dma_wait3A_49, %dma_wait3A_50] : memref<2x16x2048xf32, #tpu.memory_space<vmem>> -> memref<1x16x2048xf32, #tpu.memory_space<vmem>>
    %dma_wait3A_52 = tpu.memref_squeeze %dma_wait3A_51 : memref<1x16x2048xf32, #tpu.memory_space<vmem>> -> memref<16x2048xf32, #tpu.memory_space<vmem>>
    %dma_wait3A_53 = tpu.memref_slice %arg12[%mul3A_15] : memref<2048xi32, #tpu.memory_space<vmem>> -> memref<16xi32, #tpu.memory_space<vmem>>
    %dma_wait3A_54 = arith.constant 0 : i32
    %dma_wait3A_55 = arith.constant 0 : i32
    %dma_wait3A_56 = tpu.memref_slice %arg4[%dma_wait3A_54, %dma_wait3A_55] : memref<2048x2048xf32, #tpu.memory_space<hbm>> -> memref<2048x2048xf32, #tpu.memory_space<hbm>>
    %dma_wait3A_57 = tpu.memref_slice %arg16[%dma_wait3A_48] : memref<2x!tpu.dma_semaphore, #tpu.memory_space<semaphore_mem>> -> memref<1x!tpu.dma_semaphore, #tpu.memory_space<semaphore_mem>>
    %dma_wait3A_58 = tpu.memref_squeeze %dma_wait3A_57 : memref<1x!tpu.dma_semaphore, #tpu.memory_space<semaphore_mem>> -> memref<!tpu.dma_semaphore, #tpu.memory_space<semaphore_mem>>
    tpu.wait_indirect_dma semaphore(%dma_wait3A_58 : memref<!tpu.dma_semaphore, #tpu.memory_space<semaphore_mem>>) src(%dma_wait3A_56 : memref<2048x2048xf32, #tpu.memory_space<hbm>>) dst(%dma_wait3A_52 : memref<16x2048xf32, #tpu.memory_space<vmem>>)
    %add3A_59 = arith.constant 0 : i32
    %add3A_60 = arith.addi %mul3A_15, %add3A_59 : i32
    %run_scoped3A = arith.constant 0 : i32
    "tpu.region"() ({
      %run_scoped3A_136 = tpu.sem_alloc : memref<!tpu.dma_semaphore, #tpu.memory_space<semaphore_mem>>
      %dma_start3A_137 = arith.constant 0 : i32
      %dma_start3A_138 = arith.constant 0 : i32
      %dma_start3A_139 = tpu.memref_slice %arg14[%run_scoped3A, %dma_start3A_137, %dma_start3A_138] : memref<2x16x2048xf32, #tpu.memory_space<vmem>> -> memref<1x16x2048xf32, #tpu.memory_space<vmem>>
      %dma_start3A_140 = tpu.memref_squeeze %dma_start3A_139 : memref<1x16x2048xf32, #tpu.memory_space<vmem>> -> memref<16x2048xf32, #tpu.memory_space<vmem>>
      %dma_start3A_141 = arith.constant 0 : i32
      %dma_start3A_142 = tpu.memref_slice %arg5[%add3A_60, %dma_start3A_141] : memref<2048x2048xf32, #tpu.memory_space<hbm>> -> memref<16x2048xf32, #tpu.memory_space<hbm>>
      %dma_start3A_143 = arith.constant 0 : i32
      %dma_start3A_144 = tpu.memref_slice %arg5[%add3A_60, %dma_start3A_143] : memref<2048x2048xf32, #tpu.memory_space<hbm>> -> memref<16x2048xf32, #tpu.memory_space<hbm>>
      %dma_start3A_145 = arith.constant 0 : i32
      %dma_start3A_146 = arith.constant 0 : i32
      %dma_start3A_147 = tpu.memref_slice %arg14[%run_scoped3A, %dma_start3A_145, %dma_start3A_146] : memref<2x16x2048xf32, #tpu.memory_space<vmem>> -> memref<1x16x2048xf32, #tpu.memory_space<vmem>>
      %dma_start3A_148 = tpu.memref_squeeze %dma_start3A_147 : memref<1x16x2048xf32, #tpu.memory_space<vmem>> -> memref<16x2048xf32, #tpu.memory_space<vmem>>
      tpu.enqueue_dma source(%dma_start3A_148 : memref<16x2048xf32, #tpu.memory_space<vmem>>) target(%dma_start3A_144 : memref<16x2048xf32, #tpu.memory_space<hbm>>) target_semaphore(%run_scoped3A_136 : memref<!tpu.dma_semaphore, #tpu.memory_space<semaphore_mem>>)
      %dma_wait3A_149 = arith.constant 0 : i32
      %dma_wait3A_150 = arith.constant 0 : i32
      %dma_wait3A_151 = tpu.memref_slice %arg14[%run_scoped3A, %dma_wait3A_149, %dma_wait3A_150] : memref<2x16x2048xf32, #tpu.memory_space<vmem>> -> memref<1x16x2048xf32, #tpu.memory_space<vmem>>
      %dma_wait3A_152 = tpu.memref_squeeze %dma_wait3A_151 : memref<1x16x2048xf32, #tpu.memory_space<vmem>> -> memref<16x2048xf32, #tpu.memory_space<vmem>>
      %dma_wait3A_153 = arith.constant 0 : i32
      %dma_wait3A_154 = tpu.memref_slice %arg5[%add3A_60, %dma_wait3A_153] : memref<2048x2048xf32, #tpu.memory_space<hbm>> -> memref<16x2048xf32, #tpu.memory_space<hbm>>
      %dma_wait3A_155 = arith.constant 0 : i32
      %dma_wait3A_156 = tpu.memref_slice %arg5[%add3A_60, %dma_wait3A_155] : memref<2048x2048xf32, #tpu.memory_space<hbm>> -> memref<16x2048xf32, #tpu.memory_space<hbm>>
      %dma_wait3A_157 = arith.constant 0 : i32
      %dma_wait3A_158 = arith.constant 0 : i32
      %dma_wait3A_159 = tpu.memref_slice %arg14[%run_scoped3A, %dma_wait3A_157, %dma_wait3A_158] : memref<2x16x2048xf32, #tpu.memory_space<vmem>> -> memref<1x16x2048xf32, #tpu.memory_space<vmem>>
      %dma_wait3A_160 = tpu.memref_squeeze %dma_wait3A_159 : memref<1x16x2048xf32, #tpu.memory_space<vmem>> -> memref<16x2048xf32, #tpu.memory_space<vmem>>
      tpu.wait_dma2 semaphore(%run_scoped3A_136 : memref<!tpu.dma_semaphore, #tpu.memory_space<semaphore_mem>>) src(%dma_wait3A_160 : memref<16x2048xf32, #tpu.memory_space<vmem>>) dst(%dma_wait3A_156 : memref<16x2048xf32, #tpu.memory_space<hbm>>)
      tpu.yield
    }) : () -> ()
    %add3A_61 = arith.constant 32 : i32
    %add3A_62 = arith.addi %mul3A_15, %add3A_61 : i32
    %dma_start3A_63 = arith.constant 0 : i32
    %dma_start3A_64 = arith.constant 0 : i32
    %dma_start3A_65 = arith.constant 0 : i32
    %dma_start3A_66 = arith.constant 0 : i32
    %dma_start3A_67 = tpu.memref_slice %arg14[%dma_start3A_63, %dma_start3A_65, %dma_start3A_66] : memref<2x16x2048xf32, #tpu.memory_space<vmem>> -> memref<1x16x2048xf32, #tpu.memory_space<vmem>>
    %dma_start3A_68 = tpu.memref_squeeze %dma_start3A_67 : memref<1x16x2048xf32, #tpu.memory_space<vmem>> -> memref<16x2048xf32, #tpu.memory_space<vmem>>
    %dma_start3A_69 = tpu.memref_slice %arg12[%add3A_62] : memref<2048xi32, #tpu.memory_space<vmem>> -> memref<16xi32, #tpu.memory_space<vmem>>
    %dma_start3A_70 = arith.constant 0 : i32
    %dma_start3A_71 = arith.constant 0 : i32
    %dma_start3A_72 = tpu.memref_slice %arg4[%dma_start3A_70, %dma_start3A_71] : memref<2048x2048xf32, #tpu.memory_space<hbm>> -> memref<2048x2048xf32, #tpu.memory_space<hbm>>
    %dma_start3A_73 = tpu.memref_slice %arg16[%dma_start3A_64] : memref<2x!tpu.dma_semaphore, #tpu.memory_space<semaphore_mem>> -> memref<1x!tpu.dma_semaphore, #tpu.memory_space<semaphore_mem>>
    %dma_start3A_74 = tpu.memref_squeeze %dma_start3A_73 : memref<1x!tpu.dma_semaphore, #tpu.memory_space<semaphore_mem>> -> memref<!tpu.dma_semaphore, #tpu.memory_space<semaphore_mem>>
    tpu.enqueue_indirect_dma source(%dma_start3A_72 : memref<2048x2048xf32, #tpu.memory_space<hbm>>) target(%dma_start3A_68 : memref<16x2048xf32, #tpu.memory_space<vmem>>) offsets(%dma_start3A_69 : memref<16xi32, #tpu.memory_space<vmem>>) semaphore(%dma_start3A_74 : memref<!tpu.dma_semaphore, #tpu.memory_space<semaphore_mem>>)
    %dma_wait3A_75 = arith.constant 1 : i32
    %dma_wait3A_76 = arith.constant 1 : i32
    %dma_wait3A_77 = arith.constant 0 : i32
    %dma_wait3A_78 = arith.constant 0 : i32
    %dma_wait3A_79 = tpu.memref_slice %arg14[%dma_wait3A_75, %dma_wait3A_77, %dma_wait3A_78] : memref<2x16x2048xf32, #tpu.memory_space<vmem>> -> memref<1x16x2048xf32, #tpu.memory_space<vmem>>
    %dma_wait3A_80 = tpu.memref_squeeze %dma_wait3A_79 : memref<1x16x2048xf32, #tpu.memory_space<vmem>> -> memref<16x2048xf32, #tpu.memory_space<vmem>>
    %dma_wait3A_81 = tpu.memref_slice %arg12[%add3A_35] : memref<2048xi32, #tpu.memory_space<vmem>> -> memref<16xi32, #tpu.memory_space<vmem>>
    %dma_wait3A_82 = arith.constant 0 : i32
    %dma_wait3A_83 = arith.constant 0 : i32
    %dma_wait3A_84 = tpu.memref_slice %arg4[%dma_wait3A_82, %dma_wait3A_83] : memref<2048x2048xf32, #tpu.memory_space<hbm>> -> memref<2048x2048xf32, #tpu.memory_space<hbm>>
    %dma_wait3A_85 = tpu.memref_slice %arg16[%dma_wait3A_76] : memref<2x!tpu.dma_semaphore, #tpu.memory_space<semaphore_mem>> -> memref<1x!tpu.dma_semaphore, #tpu.memory_space<semaphore_mem>>
    %dma_wait3A_86 = tpu.memref_squeeze %dma_wait3A_85 : memref<1x!tpu.dma_semaphore, #tpu.memory_space<semaphore_mem>> -> memref<!tpu.dma_semaphore, #tpu.memory_space<semaphore_mem>>
    tpu.wait_indirect_dma semaphore(%dma_wait3A_86 : memref<!tpu.dma_semaphore, #tpu.memory_space<semaphore_mem>>) src(%dma_wait3A_84 : memref<2048x2048xf32, #tpu.memory_space<hbm>>) dst(%dma_wait3A_80 : memref<16x2048xf32, #tpu.memory_space<vmem>>)
    %add3A_87 = arith.constant 16 : i32
    %add3A_88 = arith.addi %mul3A_15, %add3A_87 : i32
    %run_scoped3A_89 = arith.constant 1 : i32
    "tpu.region"() ({
      %run_scoped3A_136 = tpu.sem_alloc : memref<!tpu.dma_semaphore, #tpu.memory_space<semaphore_mem>>
      %dma_start3A_137 = arith.constant 0 : i32
      %dma_start3A_138 = arith.constant 0 : i32
      %dma_start3A_139 = tpu.memref_slice %arg14[%run_scoped3A_89, %dma_start3A_137, %dma_start3A_138] : memref<2x16x2048xf32, #tpu.memory_space<vmem>> -> memref<1x16x2048xf32, #tpu.memory_space<vmem>>
      %dma_start3A_140 = tpu.memref_squeeze %dma_start3A_139 : memref<1x16x2048xf32, #tpu.memory_space<vmem>> -> memref<16x2048xf32, #tpu.memory_space<vmem>>
      %dma_start3A_141 = arith.constant 0 : i32
      %dma_start3A_142 = tpu.memref_slice %arg5[%add3A_88, %dma_start3A_141] : memref<2048x2048xf32, #tpu.memory_space<hbm>> -> memref<16x2048xf32, #tpu.memory_space<hbm>>
      %dma_start3A_143 = arith.constant 0 : i32
      %dma_start3A_144 = tpu.memref_slice %arg5[%add3A_88, %dma_start3A_143] : memref<2048x2048xf32, #tpu.memory_space<hbm>> -> memref<16x2048xf32, #tpu.memory_space<hbm>>
      %dma_start3A_145 = arith.constant 0 : i32
      %dma_start3A_146 = arith.constant 0 : i32
      %dma_start3A_147 = tpu.memref_slice %arg14[%run_scoped3A_89, %dma_start3A_145, %dma_start3A_146] : memref<2x16x2048xf32, #tpu.memory_space<vmem>> -> memref<1x16x2048xf32, #tpu.memory_space<vmem>>
      %dma_start3A_148 = tpu.memref_squeeze %dma_start3A_147 : memref<1x16x2048xf32, #tpu.memory_space<vmem>> -> memref<16x2048xf32, #tpu.memory_space<vmem>>
      tpu.enqueue_dma source(%dma_start3A_148 : memref<16x2048xf32, #tpu.memory_space<vmem>>) target(%dma_start3A_144 : memref<16x2048xf32, #tpu.memory_space<hbm>>) target_semaphore(%run_scoped3A_136 : memref<!tpu.dma_semaphore, #tpu.memory_space<semaphore_mem>>)
      %dma_wait3A_149 = arith.constant 0 : i32
      %dma_wait3A_150 = arith.constant 0 : i32
      %dma_wait3A_151 = tpu.memref_slice %arg14[%run_scoped3A_89, %dma_wait3A_149, %dma_wait3A_150] : memref<2x16x2048xf32, #tpu.memory_space<vmem>> -> memref<1x16x2048xf32, #tpu.memory_space<vmem>>
      %dma_wait3A_152 = tpu.memref_squeeze %dma_wait3A_151 : memref<1x16x2048xf32, #tpu.memory_space<vmem>> -> memref<16x2048xf32, #tpu.memory_space<vmem>>
      %dma_wait3A_153 = arith.constant 0 : i32
      %dma_wait3A_154 = tpu.memref_slice %arg5[%add3A_88, %dma_wait3A_153] : memref<2048x2048xf32, #tpu.memory_space<hbm>> -> memref<16x2048xf32, #tpu.memory_space<hbm>>
      %dma_wait3A_155 = arith.constant 0 : i32
      %dma_wait3A_156 = tpu.memref_slice %arg5[%add3A_88, %dma_wait3A_155] : memref<2048x2048xf32, #tpu.memory_space<hbm>> -> memref<16x2048xf32, #tpu.memory_space<hbm>>
      %dma_wait3A_157 = arith.constant 0 : i32
      %dma_wait3A_158 = arith.constant 0 : i32
      %dma_wait3A_159 = tpu.memref_slice %arg14[%run_scoped3A_89, %dma_wait3A_157, %dma_wait3A_158] : memref<2x16x2048xf32, #tpu.memory_space<vmem>> -> memref<1x16x2048xf32, #tpu.memory_space<vmem>>
      %dma_wait3A_160 = tpu.memref_squeeze %dma_wait3A_159 : memref<1x16x2048xf32, #tpu.memory_space<vmem>> -> memref<16x2048xf32, #tpu.memory_space<vmem>>
      tpu.wait_dma2 semaphore(%run_scoped3A_136 : memref<!tpu.dma_semaphore, #tpu.memory_space<semaphore_mem>>) src(%dma_wait3A_160 : memref<16x2048xf32, #tpu.memory_space<vmem>>) dst(%dma_wait3A_156 : memref<16x2048xf32, #tpu.memory_space<hbm>>)
      tpu.yield
    }) : () -> ()
    %add3A_90 = arith.constant 48 : i32
    %add3A_91 = arith.addi %mul3A_15, %add3A_90 : i32
    %dma_start3A_92 = arith.constant 1 : i32
    %dma_start3A_93 = arith.constant 1 : i32
    %dma_start3A_94 = arith.constant 0 : i32
    %dma_start3A_95 = arith.constant 0 : i32
    %dma_start3A_96 = tpu.memref_slice %arg14[%dma_start3A_92, %dma_start3A_94, %dma_start3A_95] : memref<2x16x2048xf32, #tpu.memory_space<vmem>> -> memref<1x16x2048xf32, #tpu.memory_space<vmem>>
    %dma_start3A_97 = tpu.memref_squeeze %dma_start3A_96 : memref<1x16x2048xf32, #tpu.memory_space<vmem>> -> memref<16x2048xf32, #tpu.memory_space<vmem>>
    %dma_start3A_98 = tpu.memref_slice %arg12[%add3A_91] : memref<2048xi32, #tpu.memory_space<vmem>> -> memref<16xi32, #tpu.memory_space<vmem>>
    %dma_start3A_99 = arith.constant 0 : i32
    %dma_start3A_100 = arith.constant 0 : i32
    %dma_start3A_101 = tpu.memref_slice %arg4[%dma_start3A_99, %dma_start3A_100] : memref<2048x2048xf32, #tpu.memory_space<hbm>> -> memref<2048x2048xf32, #tpu.memory_space<hbm>>
    %dma_start3A_102 = tpu.memref_slice %arg16[%dma_start3A_93] : memref<2x!tpu.dma_semaphore, #tpu.memory_space<semaphore_mem>> -> memref<1x!tpu.dma_semaphore, #tpu.memory_space<semaphore_mem>>
    %dma_start3A_103 = tpu.memref_squeeze %dma_start3A_102 : memref<1x!tpu.dma_semaphore, #tpu.memory_space<semaphore_mem>> -> memref<!tpu.dma_semaphore, #tpu.memory_space<semaphore_mem>>
    tpu.enqueue_indirect_dma source(%dma_start3A_101 : memref<2048x2048xf32, #tpu.memory_space<hbm>>) target(%dma_start3A_97 : memref<16x2048xf32, #tpu.memory_space<vmem>>) offsets(%dma_start3A_98 : memref<16xi32, #tpu.memory_space<vmem>>) semaphore(%dma_start3A_103 : memref<!tpu.dma_semaphore, #tpu.memory_space<semaphore_mem>>)
    %dma_wait3A_104 = arith.constant 0 : i32
    %dma_wait3A_105 = arith.constant 0 : i32
    %dma_wait3A_106 = arith.constant 0 : i32
    %dma_wait3A_107 = arith.constant 0 : i32
    %dma_wait3A_108 = tpu.memref_slice %arg14[%dma_wait3A_104, %dma_wait3A_106, %dma_wait3A_107] : memref<2x16x2048xf32, #tpu.memory_space<vmem>> -> memref<1x16x2048xf32, #tpu.memory_space<vmem>>
    %dma_wait3A_109 = tpu.memref_squeeze %dma_wait3A_108 : memref<1x16x2048xf32, #tpu.memory_space<vmem>> -> memref<16x2048xf32, #tpu.memory_space<vmem>>
    %dma_wait3A_110 = tpu.memref_slice %arg12[%add3A_62] : memref<2048xi32, #tpu.memory_space<vmem>> -> memref<16xi32, #tpu.memory_space<vmem>>
    %dma_wait3A_111 = arith.constant 0 : i32
    %dma_wait3A_112 = arith.constant 0 : i32
    %dma_wait3A_113 = tpu.memref_slice %arg4[%dma_wait3A_111, %dma_wait3A_112] : memref<2048x2048xf32, #tpu.memory_space<hbm>> -> memref<2048x2048xf32, #tpu.memory_space<hbm>>
    %dma_wait3A_114 = tpu.memref_slice %arg16[%dma_wait3A_105] : memref<2x!tpu.dma_semaphore, #tpu.memory_space<semaphore_mem>> -> memref<1x!tpu.dma_semaphore, #tpu.memory_space<semaphore_mem>>
    %dma_wait3A_115 = tpu.memref_squeeze %dma_wait3A_114 : memref<1x!tpu.dma_semaphore, #tpu.memory_space<semaphore_mem>> -> memref<!tpu.dma_semaphore, #tpu.memory_space<semaphore_mem>>
    tpu.wait_indirect_dma semaphore(%dma_wait3A_115 : memref<!tpu.dma_semaphore, #tpu.memory_space<semaphore_mem>>) src(%dma_wait3A_113 : memref<2048x2048xf32, #tpu.memory_space<hbm>>) dst(%dma_wait3A_109 : memref<16x2048xf32, #tpu.memory_space<vmem>>)
    %add3A_116 = arith.constant 32 : i32
    %add3A_117 = arith.addi %mul3A_15, %add3A_116 : i32
    %run_scoped3A_118 = arith.constant 0 : i32
    "tpu.region"() ({
      %run_scoped3A_136 = tpu.sem_alloc : memref<!tpu.dma_semaphore, #tpu.memory_space<semaphore_mem>>
      %dma_start3A_137 = arith.constant 0 : i32
      %dma_start3A_138 = arith.constant 0 : i32
      %dma_start3A_139 = tpu.memref_slice %arg14[%run_scoped3A_118, %dma_start3A_137, %dma_start3A_138] : memref<2x16x2048xf32, #tpu.memory_space<vmem>> -> memref<1x16x2048xf32, #tpu.memory_space<vmem>>
      %dma_start3A_140 = tpu.memref_squeeze %dma_start3A_139 : memref<1x16x2048xf32, #tpu.memory_space<vmem>> -> memref<16x2048xf32, #tpu.memory_space<vmem>>
      %dma_start3A_141 = arith.constant 0 : i32
      %dma_start3A_142 = tpu.memref_slice %arg5[%add3A_117, %dma_start3A_141] : memref<2048x2048xf32, #tpu.memory_space<hbm>> -> memref<16x2048xf32, #tpu.memory_space<hbm>>
      %dma_start3A_143 = arith.constant 0 : i32
      %dma_start3A_144 = tpu.memref_slice %arg5[%add3A_117, %dma_start3A_143] : memref<2048x2048xf32, #tpu.memory_space<hbm>> -> memref<16x2048xf32, #tpu.memory_space<hbm>>
      %dma_start3A_145 = arith.constant 0 : i32
      %dma_start3A_146 = arith.constant 0 : i32
      %dma_start3A_147 = tpu.memref_slice %arg14[%run_scoped3A_118, %dma_start3A_145, %dma_start3A_146] : memref<2x16x2048xf32, #tpu.memory_space<vmem>> -> memref<1x16x2048xf32, #tpu.memory_space<vmem>>
      %dma_start3A_148 = tpu.memref_squeeze %dma_start3A_147 : memref<1x16x2048xf32, #tpu.memory_space<vmem>> -> memref<16x2048xf32, #tpu.memory_space<vmem>>
      tpu.enqueue_dma source(%dma_start3A_148 : memref<16x2048xf32, #tpu.memory_space<vmem>>) target(%dma_start3A_144 : memref<16x2048xf32, #tpu.memory_space<hbm>>) target_semaphore(%run_scoped3A_136 : memref<!tpu.dma_semaphore, #tpu.memory_space<semaphore_mem>>)
      %dma_wait3A_149 = arith.constant 0 : i32
      %dma_wait3A_150 = arith.constant 0 : i32
      %dma_wait3A_151 = tpu.memref_slice %arg14[%run_scoped3A_118, %dma_wait3A_149, %dma_wait3A_150] : memref<2x16x2048xf32, #tpu.memory_space<vmem>> -> memref<1x16x2048xf32, #tpu.memory_space<vmem>>
      %dma_wait3A_152 = tpu.memref_squeeze %dma_wait3A_151 : memref<1x16x2048xf32, #tpu.memory_space<vmem>> -> memref<16x2048xf32, #tpu.memory_space<vmem>>
      %dma_wait3A_153 = arith.constant 0 : i32
      %dma_wait3A_154 = tpu.memref_slice %arg5[%add3A_117, %dma_wait3A_153] : memref<2048x2048xf32, #tpu.memory_space<hbm>> -> memref<16x2048xf32, #tpu.memory_space<hbm>>
      %dma_wait3A_155 = arith.constant 0 : i32
      %dma_wait3A_156 = tpu.memref_slice %arg5[%add3A_117, %dma_wait3A_155] : memref<2048x2048xf32, #tpu.memory_space<hbm>> -> memref<16x2048xf32, #tpu.memory_space<hbm>>
      %dma_wait3A_157 = arith.constant 0 : i32
      %dma_wait3A_158 = arith.constant 0 : i32
      %dma_wait3A_159 = tpu.memref_slice %arg14[%run_scoped3A_118, %dma_wait3A_157, %dma_wait3A_158] : memref<2x16x2048xf32, #tpu.memory_space<vmem>> -> memref<1x16x2048xf32, #tpu.memory_space<vmem>>
      %dma_wait3A_160 = tpu.memref_squeeze %dma_wait3A_159 : memref<1x16x2048xf32, #tpu.memory_space<vmem>> -> memref<16x2048xf32, #tpu.memory_space<vmem>>
      tpu.wait_dma2 semaphore(%run_scoped3A_136 : memref<!tpu.dma_semaphore, #tpu.memory_space<semaphore_mem>>) src(%dma_wait3A_160 : memref<16x2048xf32, #tpu.memory_space<vmem>>) dst(%dma_wait3A_156 : memref<16x2048xf32, #tpu.memory_space<hbm>>)
      tpu.yield
    }) : () -> ()
    %dma_wait3A_119 = arith.constant 1 : i32
    %dma_wait3A_120 = arith.constant 1 : i32
    %dma_wait3A_121 = arith.constant 0 : i32
    %dma_wait3A_122 = arith.constant 0 : i32
    %dma_wait3A_123 = tpu.memref_slice %arg14[%dma_wait3A_119, %dma_wait3A_121, %dma_wait3A_122] : memref<2x16x2048xf32, #tpu.memory_space<vmem>> -> memref<1x16x2048xf32, #tpu.memory_space<vmem>>
    %dma_wait3A_124 = tpu.memref_squeeze %dma_wait3A_123 : memref<1x16x2048xf32, #tpu.memory_space<vmem>> -> memref<16x2048xf32, #tpu.memory_space<vmem>>
    %dma_wait3A_125 = tpu.memref_slice %arg12[%add3A_91] : memref<2048xi32, #tpu.memory_space<vmem>> -> memref<16xi32, #tpu.memory_space<vmem>>
    %dma_wait3A_126 = arith.constant 0 : i32
    %dma_wait3A_127 = arith.constant 0 : i32
    %dma_wait3A_128 = tpu.memref_slice %arg4[%dma_wait3A_126, %dma_wait3A_127] : memref<2048x2048xf32, #tpu.memory_space<hbm>> -> memref<2048x2048xf32, #tpu.memory_space<hbm>>
    %dma_wait3A_129 = tpu.memref_slice %arg16[%dma_wait3A_120] : memref<2x!tpu.dma_semaphore, #tpu.memory_space<semaphore_mem>> -> memref<1x!tpu.dma_semaphore, #tpu.memory_space<semaphore_mem>>
    %dma_wait3A_130 = tpu.memref_squeeze %dma_wait3A_129 : memref<1x!tpu.dma_semaphore, #tpu.memory_space<semaphore_mem>> -> memref<!tpu.dma_semaphore, #tpu.memory_space<semaphore_mem>>
    tpu.wait_indirect_dma semaphore(%dma_wait3A_130 : memref<!tpu.dma_semaphore, #tpu.memory_space<semaphore_mem>>) src(%dma_wait3A_128 : memref<2048x2048xf32, #tpu.memory_space<hbm>>) dst(%dma_wait3A_124 : memref<16x2048xf32, #tpu.memory_space<vmem>>)
    %add3A_131 = arith.constant 48 : i32
    %add3A_132 = arith.addi %mul3A_15, %add3A_131 : i32
    %run_scoped3A_133 = arith.constant 1 : i32
    "tpu.region"() ({
      %run_scoped3A_136 = tpu.sem_alloc : memref<!tpu.dma_semaphore, #tpu.memory_space<semaphore_mem>>
      %dma_start3A_137 = arith.constant 0 : i32
      %dma_start3A_138 = arith.constant 0 : i32
      %dma_start3A_139 = tpu.memref_slice %arg14[%run_scoped3A_133, %dma_start3A_137, %dma_start3A_138] : memref<2x16x2048xf32, #tpu.memory_space<vmem>> -> memref<1x16x2048xf32, #tpu.memory_space<vmem>>
      %dma_start3A_140 = tpu.memref_squeeze %dma_start3A_139 : memref<1x16x2048xf32, #tpu.memory_space<vmem>> -> memref<16x2048xf32, #tpu.memory_space<vmem>>
      %dma_start3A_141 = arith.constant 0 : i32
      %dma_start3A_142 = tpu.memref_slice %arg5[%add3A_132, %dma_start3A_141] : memref<2048x2048xf32, #tpu.memory_space<hbm>> -> memref<16x2048xf32, #tpu.memory_space<hbm>>
      %dma_start3A_143 = arith.constant 0 : i32
      %dma_start3A_144 = tpu.memref_slice %arg5[%add3A_132, %dma_start3A_143] : memref<2048x2048xf32, #tpu.memory_space<hbm>> -> memref<16x2048xf32, #tpu.memory_space<hbm>>
      %dma_start3A_145 = arith.constant 0 : i32
      %dma_start3A_146 = arith.constant 0 : i32
      %dma_start3A_147 = tpu.memref_slice %arg14[%run_scoped3A_133, %dma_start3A_145, %dma_start3A_146] : memref<2x16x2048xf32, #tpu.memory_space<vmem>> -> memref<1x16x2048xf32, #tpu.memory_space<vmem>>
      %dma_start3A_148 = tpu.memref_squeeze %dma_start3A_147 : memref<1x16x2048xf32, #tpu.memory_space<vmem>> -> memref<16x2048xf32, #tpu.memory_space<vmem>>
      tpu.enqueue_dma source(%dma_start3A_148 : memref<16x2048xf32, #tpu.memory_space<vmem>>) target(%dma_start3A_144 : memref<16x2048xf32, #tpu.memory_space<hbm>>) target_semaphore(%run_scoped3A_136 : memref<!tpu.dma_semaphore, #tpu.memory_space<semaphore_mem>>)
      %dma_wait3A_149 = arith.constant 0 : i32
      %dma_wait3A_150 = arith.constant 0 : i32
      %dma_wait3A_151 = tpu.memref_slice %arg14[%run_scoped3A_133, %dma_wait3A_149, %dma_wait3A_150] : memref<2x16x2048xf32, #tpu.memory_space<vmem>> -> memref<1x16x2048xf32, #tpu.memory_space<vmem>>
      %dma_wait3A_152 = tpu.memref_squeeze %dma_wait3A_151 : memref<1x16x2048xf32, #tpu.memory_space<vmem>> -> memref<16x2048xf32, #tpu.memory_space<vmem>>
      %dma_wait3A_153 = arith.constant 0 : i32
      %dma_wait3A_154 = tpu.memref_slice %arg5[%add3A_132, %dma_wait3A_153] : memref<2048x2048xf32, #tpu.memory_space<hbm>> -> memref<16x2048xf32, #tpu.memory_space<hbm>>
      %dma_wait3A_155 = arith.constant 0 : i32
      %dma_wait3A_156 = tpu.memref_slice %arg5[%add3A_132, %dma_wait3A_155] : memref<2048x2048xf32, #tpu.memory_space<hbm>> -> memref<16x2048xf32, #tpu.memory_space<hbm>>
      %dma_wait3A_157 = arith.constant 0 : i32
      %dma_wait3A_158 = arith.constant 0 : i32
      %dma_wait3A_159 = tpu.memref_slice %arg14[%run_scoped3A_133, %dma_wait3A_157, %dma_wait3A_158] : memref<2x16x2048xf32, #tpu.memory_space<vmem>> -> memref<1x16x2048xf32, #tpu.memory_space<vmem>>
      %dma_wait3A_160 = tpu.memref_squeeze %dma_wait3A_159 : memref<1x16x2048xf32, #tpu.memory_space<vmem>> -> memref<16x2048xf32, #tpu.memory_space<vmem>>
      tpu.wait_dma2 semaphore(%run_scoped3A_136 : memref<!tpu.dma_semaphore, #tpu.memory_space<semaphore_mem>>) src(%dma_wait3A_160 : memref<16x2048xf32, #tpu.memory_space<vmem>>) dst(%dma_wait3A_156 : memref<16x2048xf32, #tpu.memory_space<hbm>>)
      tpu.yield
    }) : () -> ()
    %eq3A = arith.constant 0 : i32
    %eq3A_134 = arith.cmpi eq, %add3A, %eq3A : i32
    %convert_element_type3A = arith.extui %eq3A_134 : i1 to i32
    %cond3A = arith.constant 0 : i32
    %cond3A_135 = arith.cmpi ne, %convert_element_type3A, %cond3A : i32
    scf.if %cond3A_135 {
      "tpu.region"() ({
        %run_scoped3A_137 = tpu.sem_alloc : memref<!tpu.dma_semaphore, #tpu.memory_space<semaphore_mem>>
        tpu.enqueue_dma source(%arg12 : memref<2048xi32, #tpu.memory_space<vmem>>) target(%arg7 : memref<2048xi32, #tpu.memory_space<hbm>>) target_semaphore(%run_scoped3A_137 : memref<!tpu.dma_semaphore, #tpu.memory_space<semaphore_mem>>)
        tpu.wait_dma2 semaphore(%run_scoped3A_137 : memref<!tpu.dma_semaphore, #tpu.memory_space<semaphore_mem>>) src(%arg12 : memref<2048xi32, #tpu.memory_space<vmem>>) dst(%arg7 : memref<2048xi32, #tpu.memory_space<hbm>>)
        tpu.yield
      }) : () -> ()
      %broadcast_in_dim3A = vector.broadcast %scan3A_5 : i32 to vector<16xi32>
      %swap3A = arith.constant 0 : index
      %swap3A_136 = tpu.vector_load %arg15[%swap3A] {strides = array<i32>} : memref<16xi32, #tpu.memory_space<vmem>>, vector<16xi32>,
      tpu.vector_store %arg15[%swap3A], %broadcast_in_dim3A {strides = array<i32>} : memref<16xi32, #tpu.memory_space<vmem>>, vector<16xi32>,
      "tpu.region"() ({
        %run_scoped3A_137 = tpu.sem_alloc : memref<!tpu.dma_semaphore, #tpu.memory_space<semaphore_mem>>
        tpu.enqueue_dma source(%arg15 : memref<16xi32, #tpu.memory_space<vmem>>) target(%arg8 : memref<16xi32, #tpu.memory_space<hbm>>) target_semaphore(%run_scoped3A_137 : memref<!tpu.dma_semaphore, #tpu.memory_space<semaphore_mem>>)
        tpu.wait_dma2 semaphore(%run_scoped3A_137 : memref<!tpu.dma_semaphore, #tpu.memory_space<semaphore_mem>>) src(%arg15 : memref<16xi32, #tpu.memory_space<vmem>>) dst(%arg8 : memref<16xi32, #tpu.memory_space<hbm>>)
        tpu.yield
      }) : () -> ()
    } else {
    }
    return
  }
}

#map = affine_map<(d0, d1) -> (0, 0)>
#map1 = affine_map<(d0, d1) -> (0, 0, 0)>
module attributes {stable_mosaic.version = 14 : i64} {
  func.func @_sc_scatter_body(%arg0: i32, %arg1: i32, %arg2: memref<2048x2048xf32, #tpu.memory_space<hbm>>, %arg3: memref<32x4x16xi32, #tpu.memory_space<hbm>>, %arg4: memref<2048x2048xf32, #tpu.memory_space<hbm>>, %arg5: memref<4x16xi32, #tpu.memory_space<vmem>>, %arg6: memref<2x16x2048xf32, #tpu.memory_space<vmem>>, %arg7: memref<2x!tpu.dma_semaphore, #tpu.memory_space<semaphore_mem>>, %arg8: memref<2x!tpu.dma_semaphore, #tpu.memory_space<semaphore_mem>>) attributes {dimension_semantics = [#tpu.dimension_semantics<core_parallel>, #tpu.dimension_semantics<subcore_parallel>], iteration_bounds = array<i64: 2, 16>, scalar_prefetch = 0 : i64, scratch_operands = 4 : i64, tpu.core_type = #tpu.core_type<sc_vector_subcore>, window_params = [{transform_indices = #map}, {transform_indices = #map1}, {transform_indices = #map}]} {
    %mul3A = arith.constant 2 : i32
    %mul3A_0 = arith.muli %arg1, %mul3A : i32
    %add3A = arith.addi %mul3A_0, %arg0 : i32
    %mul3A_1 = arith.constant 64 : i32
    %mul3A_2 = arith.muli %add3A, %mul3A_1 : i32
    "tpu.region"() ({
      %run_scoped3A = tpu.sem_alloc : memref<!tpu.dma_semaphore, #tpu.memory_space<semaphore_mem>>
      %dma_start3A_255 = arith.constant 0 : i32
      %dma_start3A_256 = arith.constant 0 : i32
      %dma_start3A_257 = tpu.memref_slice %arg3[%add3A, %dma_start3A_255, %dma_start3A_256] : memref<32x4x16xi32, #tpu.memory_space<hbm>> -> memref<1x4x16xi32, #tpu.memory_space<hbm>>
      %dma_start3A_258 = tpu.memref_squeeze %dma_start3A_257 : memref<1x4x16xi32, #tpu.memory_space<hbm>> -> memref<4x16xi32, #tpu.memory_space<hbm>>
      %dma_start3A_259 = arith.constant 0 : i32
      %dma_start3A_260 = arith.constant 0 : i32
      %dma_start3A_261 = tpu.memref_slice %arg3[%add3A, %dma_start3A_259, %dma_start3A_260] : memref<32x4x16xi32, #tpu.memory_space<hbm>> -> memref<1x4x16xi32, #tpu.memory_space<hbm>>
      %dma_start3A_262 = tpu.memref_squeeze %dma_start3A_261 : memref<1x4x16xi32, #tpu.memory_space<hbm>> -> memref<4x16xi32, #tpu.memory_space<hbm>>
      tpu.enqueue_dma source(%dma_start3A_262 : memref<4x16xi32, #tpu.memory_space<hbm>>) target(%arg5 : memref<4x16xi32, #tpu.memory_space<vmem>>) target_semaphore(%run_scoped3A : memref<!tpu.dma_semaphore, #tpu.memory_space<semaphore_mem>>)
      %dma_wait3A_263 = arith.constant 0 : i32
      %dma_wait3A_264 = arith.constant 0 : i32
      %dma_wait3A_265 = tpu.memref_slice %arg3[%add3A, %dma_wait3A_263, %dma_wait3A_264] : memref<32x4x16xi32, #tpu.memory_space<hbm>> -> memref<1x4x16xi32, #tpu.memory_space<hbm>>
      %dma_wait3A_266 = tpu.memref_squeeze %dma_wait3A_265 : memref<1x4x16xi32, #tpu.memory_space<hbm>> -> memref<4x16xi32, #tpu.memory_space<hbm>>
      %dma_wait3A_267 = arith.constant 0 : i32
      %dma_wait3A_268 = arith.constant 0 : i32
      %dma_wait3A_269 = tpu.memref_slice %arg3[%add3A, %dma_wait3A_267, %dma_wait3A_268] : memref<32x4x16xi32, #tpu.memory_space<hbm>> -> memref<1x4x16xi32, #tpu.memory_space<hbm>>
      %dma_wait3A_270 = tpu.memref_squeeze %dma_wait3A_269 : memref<1x4x16xi32, #tpu.memory_space<hbm>> -> memref<4x16xi32, #tpu.memory_space<hbm>>
      tpu.wait_dma2 semaphore(%run_scoped3A : memref<!tpu.dma_semaphore, #tpu.memory_space<semaphore_mem>>) src(%dma_wait3A_270 : memref<4x16xi32, #tpu.memory_space<hbm>>) dst(%arg5 : memref<4x16xi32, #tpu.memory_space<vmem>>)
      tpu.yield
    }) : () -> ()
    %dma_start3A = arith.constant 0 : i32
    %dma_start3A_3 = arith.constant 0 : i32
    %dma_start3A_4 = arith.constant 0 : i32
    %dma_start3A_5 = arith.constant 0 : i32
    %dma_start3A_6 = tpu.memref_slice %arg6[%dma_start3A, %dma_start3A_4, %dma_start3A_5] : memref<2x16x2048xf32, #tpu.memory_space<vmem>> -> memref<1x16x2048xf32, #tpu.memory_space<vmem>>
    %dma_start3A_7 = tpu.memref_squeeze %dma_start3A_6 : memref<1x16x2048xf32, #tpu.memory_space<vmem>> -> memref<16x2048xf32, #tpu.memory_space<vmem>>
    %dma_start3A_8 = arith.constant 0 : i32
    %dma_start3A_9 = tpu.memref_slice %arg2[%mul3A_2, %dma_start3A_8] : memref<2048x2048xf32, #tpu.memory_space<hbm>> -> memref<16x2048xf32, #tpu.memory_space<hbm>>
    %dma_start3A_10 = tpu.memref_slice %arg7[%dma_start3A_3] : memref<2x!tpu.dma_semaphore, #tpu.memory_space<semaphore_mem>> -> memref<1x!tpu.dma_semaphore, #tpu.memory_space<semaphore_mem>>
    %dma_start3A_11 = tpu.memref_squeeze %dma_start3A_10 : memref<1x!tpu.dma_semaphore, #tpu.memory_space<semaphore_mem>> -> memref<!tpu.dma_semaphore, #tpu.memory_space<semaphore_mem>>
    %dma_start3A_12 = arith.constant 0 : i32
    %dma_start3A_13 = arith.constant 0 : i32
    %dma_start3A_14 = tpu.memref_slice %arg6[%dma_start3A, %dma_start3A_12, %dma_start3A_13] : memref<2x16x2048xf32, #tpu.memory_space<vmem>> -> memref<1x16x2048xf32, #tpu.memory_space<vmem>>
    %dma_start3A_15 = tpu.memref_squeeze %dma_start3A_14 : memref<1x16x2048xf32, #tpu.memory_space<vmem>> -> memref<16x2048xf32, #tpu.memory_space<vmem>>
    %dma_start3A_16 = arith.constant 0 : i32
    %dma_start3A_17 = tpu.memref_slice %arg2[%mul3A_2, %dma_start3A_16] : memref<2048x2048xf32, #tpu.memory_space<hbm>> -> memref<16x2048xf32, #tpu.memory_space<hbm>>
    tpu.enqueue_dma source(%dma_start3A_17 : memref<16x2048xf32, #tpu.memory_space<hbm>>) target(%dma_start3A_15 : memref<16x2048xf32, #tpu.memory_space<vmem>>) target_semaphore(%dma_start3A_11 : memref<!tpu.dma_semaphore, #tpu.memory_space<semaphore_mem>>)
    %add3A_18 = arith.constant 16 : i32
    %add3A_19 = arith.addi %mul3A_2, %add3A_18 : i32
    %dma_start3A_20 = arith.constant 1 : i32
    %dma_start3A_21 = arith.constant 1 : i32
    %dma_start3A_22 = arith.constant 0 : i32
    %dma_start3A_23 = arith.constant 0 : i32
    %dma_start3A_24 = tpu.memref_slice %arg6[%dma_start3A_20, %dma_start3A_22, %dma_start3A_23] : memref<2x16x2048xf32, #tpu.memory_space<vmem>> -> memref<1x16x2048xf32, #tpu.memory_space<vmem>>
    %dma_start3A_25 = tpu.memref_squeeze %dma_start3A_24 : memref<1x16x2048xf32, #tpu.memory_space<vmem>> -> memref<16x2048xf32, #tpu.memory_space<vmem>>
    %dma_start3A_26 = arith.constant 0 : i32
    %dma_start3A_27 = tpu.memref_slice %arg2[%add3A_19, %dma_start3A_26] : memref<2048x2048xf32, #tpu.memory_space<hbm>> -> memref<16x2048xf32, #tpu.memory_space<hbm>>
    %dma_start3A_28 = tpu.memref_slice %arg7[%dma_start3A_21] : memref<2x!tpu.dma_semaphore, #tpu.memory_space<semaphore_mem>> -> memref<1x!tpu.dma_semaphore, #tpu.memory_space<semaphore_mem>>
    %dma_start3A_29 = tpu.memref_squeeze %dma_start3A_28 : memref<1x!tpu.dma_semaphore, #tpu.memory_space<semaphore_mem>> -> memref<!tpu.dma_semaphore, #tpu.memory_space<semaphore_mem>>
    %dma_start3A_30 = arith.constant 0 : i32
    %dma_start3A_31 = arith.constant 0 : i32
    %dma_start3A_32 = tpu.memref_slice %arg6[%dma_start3A_20, %dma_start3A_30, %dma_start3A_31] : memref<2x16x2048xf32, #tpu.memory_space<vmem>> -> memref<1x16x2048xf32, #tpu.memory_space<vmem>>
    %dma_start3A_33 = tpu.memref_squeeze %dma_start3A_32 : memref<1x16x2048xf32, #tpu.memory_space<vmem>> -> memref<16x2048xf32, #tpu.memory_space<vmem>>
    %dma_start3A_34 = arith.constant 0 : i32
    %dma_start3A_35 = tpu.memref_slice %arg2[%add3A_19, %dma_start3A_34] : memref<2048x2048xf32, #tpu.memory_space<hbm>> -> memref<16x2048xf32, #tpu.memory_space<hbm>>
    tpu.enqueue_dma source(%dma_start3A_35 : memref<16x2048xf32, #tpu.memory_space<hbm>>) target(%dma_start3A_33 : memref<16x2048xf32, #tpu.memory_space<vmem>>) target_semaphore(%dma_start3A_29 : memref<!tpu.dma_semaphore, #tpu.memory_space<semaphore_mem>>)
    %dma_wait3A = arith.constant 0 : i32
    %dma_wait3A_36 = arith.constant 0 : i32
    %dma_wait3A_37 = arith.constant 0 : i32
    %dma_wait3A_38 = arith.constant 0 : i32
    %dma_wait3A_39 = tpu.memref_slice %arg6[%dma_wait3A, %dma_wait3A_37, %dma_wait3A_38] : memref<2x16x2048xf32, #tpu.memory_space<vmem>> -> memref<1x16x2048xf32, #tpu.memory_space<vmem>>
    %dma_wait3A_40 = tpu.memref_squeeze %dma_wait3A_39 : memref<1x16x2048xf32, #tpu.memory_space<vmem>> -> memref<16x2048xf32, #tpu.memory_space<vmem>>
    %dma_wait3A_41 = arith.constant 0 : i32
    %dma_wait3A_42 = tpu.memref_slice %arg2[%mul3A_2, %dma_wait3A_41] : memref<2048x2048xf32, #tpu.memory_space<hbm>> -> memref<16x2048xf32, #tpu.memory_space<hbm>>
    %dma_wait3A_43 = tpu.memref_slice %arg7[%dma_wait3A_36] : memref<2x!tpu.dma_semaphore, #tpu.memory_space<semaphore_mem>> -> memref<1x!tpu.dma_semaphore, #tpu.memory_space<semaphore_mem>>
    %dma_wait3A_44 = tpu.memref_squeeze %dma_wait3A_43 : memref<1x!tpu.dma_semaphore, #tpu.memory_space<semaphore_mem>> -> memref<!tpu.dma_semaphore, #tpu.memory_space<semaphore_mem>>
    %dma_wait3A_45 = arith.constant 0 : i32
    %dma_wait3A_46 = arith.constant 0 : i32
    %dma_wait3A_47 = tpu.memref_slice %arg6[%dma_wait3A, %dma_wait3A_45, %dma_wait3A_46] : memref<2x16x2048xf32, #tpu.memory_space<vmem>> -> memref<1x16x2048xf32, #tpu.memory_space<vmem>>
    %dma_wait3A_48 = tpu.memref_squeeze %dma_wait3A_47 : memref<1x16x2048xf32, #tpu.memory_space<vmem>> -> memref<16x2048xf32, #tpu.memory_space<vmem>>
    %dma_wait3A_49 = arith.constant 0 : i32
    %dma_wait3A_50 = tpu.memref_slice %arg2[%mul3A_2, %dma_wait3A_49] : memref<2048x2048xf32, #tpu.memory_space<hbm>> -> memref<16x2048xf32, #tpu.memory_space<hbm>>
    tpu.wait_dma2 semaphore(%dma_wait3A_44 : memref<!tpu.dma_semaphore, #tpu.memory_space<semaphore_mem>>) src(%dma_wait3A_50 : memref<16x2048xf32, #tpu.memory_space<hbm>>) dst(%dma_wait3A_48 : memref<16x2048xf32, #tpu.memory_space<vmem>>)
    %dma_start3A_51 = arith.constant 0 : i32
    %dma_start3A_52 = arith.constant 0 : i32
    %dma_start3A_53 = arith.constant 0 : i32
    %dma_start3A_54 = arith.constant 0 : i32
    %dma_start3A_55 = arith.constant 0 : i32
    %dma_start3A_56 = tpu.memref_slice %arg6[%dma_start3A_51, %dma_start3A_54, %dma_start3A_55] : memref<2x16x2048xf32, #tpu.memory_space<vmem>> -> memref<1x16x2048xf32, #tpu.memory_space<vmem>>
    %dma_start3A_57 = tpu.memref_squeeze %dma_start3A_56 : memref<1x16x2048xf32, #tpu.memory_space<vmem>> -> memref<16x2048xf32, #tpu.memory_space<vmem>>
    %dma_start3A_58 = arith.constant 0 : i32
    %dma_start3A_59 = tpu.memref_slice %arg5[%dma_start3A_52, %dma_start3A_58] : memref<4x16xi32, #tpu.memory_space<vmem>> -> memref<1x16xi32, #tpu.memory_space<vmem>>
    %dma_start3A_60 = tpu.memref_squeeze %dma_start3A_59 : memref<1x16xi32, #tpu.memory_space<vmem>> -> memref<16xi32, #tpu.memory_space<vmem>>
    %dma_start3A_61 = arith.constant 0 : i32
    %dma_start3A_62 = arith.constant 0 : i32
    %dma_start3A_63 = tpu.memref_slice %arg4[%dma_start3A_61, %dma_start3A_62] : memref<2048x2048xf32, #tpu.memory_space<hbm>> -> memref<2048x2048xf32, #tpu.memory_space<hbm>>
    %dma_start3A_64 = tpu.memref_slice %arg8[%dma_start3A_53] : memref<2x!tpu.dma_semaphore, #tpu.memory_space<semaphore_mem>> -> memref<1x!tpu.dma_semaphore, #tpu.memory_space<semaphore_mem>>
    %dma_start3A_65 = tpu.memref_squeeze %dma_start3A_64 : memref<1x!tpu.dma_semaphore, #tpu.memory_space<semaphore_mem>> -> memref<!tpu.dma_semaphore, #tpu.memory_space<semaphore_mem>>
    tpu.enqueue_indirect_dma source(%dma_start3A_57 : memref<16x2048xf32, #tpu.memory_space<vmem>>) target(%dma_start3A_63 : memref<2048x2048xf32, #tpu.memory_space<hbm>>) offsets(%dma_start3A_60 : memref<16xi32, #tpu.memory_space<vmem>>) semaphore(%dma_start3A_65 : memref<!tpu.dma_semaphore, #tpu.memory_space<semaphore_mem>>)
    %dma_wait3A_66 = arith.constant 0 : i32
    %dma_wait3A_67 = arith.constant 0 : i32
    %dma_wait3A_68 = arith.constant 0 : i32
    %dma_wait3A_69 = arith.constant 0 : i32
    %dma_wait3A_70 = arith.constant 0 : i32
    %dma_wait3A_71 = tpu.memref_slice %arg6[%dma_wait3A_66, %dma_wait3A_69, %dma_wait3A_70] : memref<2x16x2048xf32, #tpu.memory_space<vmem>> -> memref<1x16x2048xf32, #tpu.memory_space<vmem>>
    %dma_wait3A_72 = tpu.memref_squeeze %dma_wait3A_71 : memref<1x16x2048xf32, #tpu.memory_space<vmem>> -> memref<16x2048xf32, #tpu.memory_space<vmem>>
    %dma_wait3A_73 = arith.constant 0 : i32
    %dma_wait3A_74 = tpu.memref_slice %arg5[%dma_wait3A_67, %dma_wait3A_73] : memref<4x16xi32, #tpu.memory_space<vmem>> -> memref<1x16xi32, #tpu.memory_space<vmem>>
    %dma_wait3A_75 = tpu.memref_squeeze %dma_wait3A_74 : memref<1x16xi32, #tpu.memory_space<vmem>> -> memref<16xi32, #tpu.memory_space<vmem>>
    %dma_wait3A_76 = arith.constant 0 : i32
    %dma_wait3A_77 = arith.constant 0 : i32
    %dma_wait3A_78 = tpu.memref_slice %arg4[%dma_wait3A_76, %dma_wait3A_77] : memref<2048x2048xf32, #tpu.memory_space<hbm>> -> memref<2048x2048xf32, #tpu.memory_space<hbm>>
    %dma_wait3A_79 = tpu.memref_slice %arg8[%dma_wait3A_68] : memref<2x!tpu.dma_semaphore, #tpu.memory_space<semaphore_mem>> -> memref<1x!tpu.dma_semaphore, #tpu.memory_space<semaphore_mem>>
    %dma_wait3A_80 = tpu.memref_squeeze %dma_wait3A_79 : memref<1x!tpu.dma_semaphore, #tpu.memory_space<semaphore_mem>> -> memref<!tpu.dma_semaphore, #tpu.memory_space<semaphore_mem>>
    tpu.wait_indirect_dma semaphore(%dma_wait3A_80 : memref<!tpu.dma_semaphore, #tpu.memory_space<semaphore_mem>>) src(%dma_wait3A_72 : memref<16x2048xf32, #tpu.memory_space<vmem>>) dst(%dma_wait3A_78 : memref<2048x2048xf32, #tpu.memory_space<hbm>>)
    %add3A_81 = arith.constant 32 : i32
    %add3A_82 = arith.addi %mul3A_2, %add3A_81 : i32
    %dma_start3A_83 = arith.constant 0 : i32
    %dma_start3A_84 = arith.constant 0 : i32
    %dma_start3A_85 = arith.constant 0 : i32
    %dma_start3A_86 = arith.constant 0 : i32
    %dma_start3A_87 = tpu.memref_slice %arg6[%dma_start3A_83, %dma_start3A_85, %dma_start3A_86] : memref<2x16x2048xf32, #tpu.memory_space<vmem>> -> memref<1x16x2048xf32, #tpu.memory_space<vmem>>
    %dma_start3A_88 = tpu.memref_squeeze %dma_start3A_87 : memref<1x16x2048xf32, #tpu.memory_space<vmem>> -> memref<16x2048xf32, #tpu.memory_space<vmem>>
    %dma_start3A_89 = arith.constant 0 : i32
    %dma_start3A_90 = tpu.memref_slice %arg2[%add3A_82, %dma_start3A_89] : memref<2048x2048xf32, #tpu.memory_space<hbm>> -> memref<16x2048xf32, #tpu.memory_space<hbm>>
    %dma_start3A_91 = tpu.memref_slice %arg7[%dma_start3A_84] : memref<2x!tpu.dma_semaphore, #tpu.memory_space<semaphore_mem>> -> memref<1x!tpu.dma_semaphore, #tpu.memory_space<semaphore_mem>>
    %dma_start3A_92 = tpu.memref_squeeze %dma_start3A_91 : memref<1x!tpu.dma_semaphore, #tpu.memory_space<semaphore_mem>> -> memref<!tpu.dma_semaphore, #tpu.memory_space<semaphore_mem>>
    %dma_start3A_93 = arith.constant 0 : i32
    %dma_start3A_94 = arith.constant 0 : i32
    %dma_start3A_95 = tpu.memref_slice %arg6[%dma_start3A_83, %dma_start3A_93, %dma_start3A_94] : memref<2x16x2048xf32, #tpu.memory_space<vmem>> -> memref<1x16x2048xf32, #tpu.memory_space<vmem>>
    %dma_start3A_96 = tpu.memref_squeeze %dma_start3A_95 : memref<1x16x2048xf32, #tpu.memory_space<vmem>> -> memref<16x2048xf32, #tpu.memory_space<vmem>>
    %dma_start3A_97 = arith.constant 0 : i32
    %dma_start3A_98 = tpu.memref_slice %arg2[%add3A_82, %dma_start3A_97] : memref<2048x2048xf32, #tpu.memory_space<hbm>> -> memref<16x2048xf32, #tpu.memory_space<hbm>>
    tpu.enqueue_dma source(%dma_start3A_98 : memref<16x2048xf32, #tpu.memory_space<hbm>>) target(%dma_start3A_96 : memref<16x2048xf32, #tpu.memory_space<vmem>>) target_semaphore(%dma_start3A_92 : memref<!tpu.dma_semaphore, #tpu.memory_space<semaphore_mem>>)
    %dma_wait3A_99 = arith.constant 1 : i32
    %dma_wait3A_100 = arith.constant 1 : i32
    %dma_wait3A_101 = arith.constant 0 : i32
    %dma_wait3A_102 = arith.constant 0 : i32
    %dma_wait3A_103 = tpu.memref_slice %arg6[%dma_wait3A_99, %dma_wait3A_101, %dma_wait3A_102] : memref<2x16x2048xf32, #tpu.memory_space<vmem>> -> memref<1x16x2048xf32, #tpu.memory_space<vmem>>
    %dma_wait3A_104 = tpu.memref_squeeze %dma_wait3A_103 : memref<1x16x2048xf32, #tpu.memory_space<vmem>> -> memref<16x2048xf32, #tpu.memory_space<vmem>>
    %dma_wait3A_105 = arith.constant 0 : i32
    %dma_wait3A_106 = tpu.memref_slice %arg2[%add3A_19, %dma_wait3A_105] : memref<2048x2048xf32, #tpu.memory_space<hbm>> -> memref<16x2048xf32, #tpu.memory_space<hbm>>
    %dma_wait3A_107 = tpu.memref_slice %arg7[%dma_wait3A_100] : memref<2x!tpu.dma_semaphore, #tpu.memory_space<semaphore_mem>> -> memref<1x!tpu.dma_semaphore, #tpu.memory_space<semaphore_mem>>
    %dma_wait3A_108 = tpu.memref_squeeze %dma_wait3A_107 : memref<1x!tpu.dma_semaphore, #tpu.memory_space<semaphore_mem>> -> memref<!tpu.dma_semaphore, #tpu.memory_space<semaphore_mem>>
    %dma_wait3A_109 = arith.constant 0 : i32
    %dma_wait3A_110 = arith.constant 0 : i32
    %dma_wait3A_111 = tpu.memref_slice %arg6[%dma_wait3A_99, %dma_wait3A_109, %dma_wait3A_110] : memref<2x16x2048xf32, #tpu.memory_space<vmem>> -> memref<1x16x2048xf32, #tpu.memory_space<vmem>>
    %dma_wait3A_112 = tpu.memref_squeeze %dma_wait3A_111 : memref<1x16x2048xf32, #tpu.memory_space<vmem>> -> memref<16x2048xf32, #tpu.memory_space<vmem>>
    %dma_wait3A_113 = arith.constant 0 : i32
    %dma_wait3A_114 = tpu.memref_slice %arg2[%add3A_19, %dma_wait3A_113] : memref<2048x2048xf32, #tpu.memory_space<hbm>> -> memref<16x2048xf32, #tpu.memory_space<hbm>>
    tpu.wait_dma2 semaphore(%dma_wait3A_108 : memref<!tpu.dma_semaphore, #tpu.memory_space<semaphore_mem>>) src(%dma_wait3A_114 : memref<16x2048xf32, #tpu.memory_space<hbm>>) dst(%dma_wait3A_112 : memref<16x2048xf32, #tpu.memory_space<vmem>>)
    %dma_start3A_115 = arith.constant 1 : i32
    %dma_start3A_116 = arith.constant 1 : i32
    %dma_start3A_117 = arith.constant 1 : i32
    %dma_start3A_118 = arith.constant 0 : i32
    %dma_start3A_119 = arith.constant 0 : i32
    %dma_start3A_120 = tpu.memref_slice %arg6[%dma_start3A_115, %dma_start3A_118, %dma_start3A_119] : memref<2x16x2048xf32, #tpu.memory_space<vmem>> -> memref<1x16x2048xf32, #tpu.memory_space<vmem>>
    %dma_start3A_121 = tpu.memref_squeeze %dma_start3A_120 : memref<1x16x2048xf32, #tpu.memory_space<vmem>> -> memref<16x2048xf32, #tpu.memory_space<vmem>>
    %dma_start3A_122 = arith.constant 0 : i32
    %dma_start3A_123 = tpu.memref_slice %arg5[%dma_start3A_116, %dma_start3A_122] : memref<4x16xi32, #tpu.memory_space<vmem>> -> memref<1x16xi32, #tpu.memory_space<vmem>>
    %dma_start3A_124 = tpu.memref_squeeze %dma_start3A_123 : memref<1x16xi32, #tpu.memory_space<vmem>> -> memref<16xi32, #tpu.memory_space<vmem>>
    %dma_start3A_125 = arith.constant 0 : i32
    %dma_start3A_126 = arith.constant 0 : i32
    %dma_start3A_127 = tpu.memref_slice %arg4[%dma_start3A_125, %dma_start3A_126] : memref<2048x2048xf32, #tpu.memory_space<hbm>> -> memref<2048x2048xf32, #tpu.memory_space<hbm>>
    %dma_start3A_128 = tpu.memref_slice %arg8[%dma_start3A_117] : memref<2x!tpu.dma_semaphore, #tpu.memory_space<semaphore_mem>> -> memref<1x!tpu.dma_semaphore, #tpu.memory_space<semaphore_mem>>
    %dma_start3A_129 = tpu.memref_squeeze %dma_start3A_128 : memref<1x!tpu.dma_semaphore, #tpu.memory_space<semaphore_mem>> -> memref<!tpu.dma_semaphore, #tpu.memory_space<semaphore_mem>>
    tpu.enqueue_indirect_dma source(%dma_start3A_121 : memref<16x2048xf32, #tpu.memory_space<vmem>>) target(%dma_start3A_127 : memref<2048x2048xf32, #tpu.memory_space<hbm>>) offsets(%dma_start3A_124 : memref<16xi32, #tpu.memory_space<vmem>>) semaphore(%dma_start3A_129 : memref<!tpu.dma_semaphore, #tpu.memory_space<semaphore_mem>>)
    %dma_wait3A_130 = arith.constant 1 : i32
    %dma_wait3A_131 = arith.constant 1 : i32
    %dma_wait3A_132 = arith.constant 1 : i32
    %dma_wait3A_133 = arith.constant 0 : i32
    %dma_wait3A_134 = arith.constant 0 : i32
    %dma_wait3A_135 = tpu.memref_slice %arg6[%dma_wait3A_130, %dma_wait3A_133, %dma_wait3A_134] : memref<2x16x2048xf32, #tpu.memory_space<vmem>> -> memref<1x16x2048xf32, #tpu.memory_space<vmem>>
    %dma_wait3A_136 = tpu.memref_squeeze %dma_wait3A_135 : memref<1x16x2048xf32, #tpu.memory_space<vmem>> -> memref<16x2048xf32, #tpu.memory_space<vmem>>
    %dma_wait3A_137 = arith.constant 0 : i32
    %dma_wait3A_138 = tpu.memref_slice %arg5[%dma_wait3A_131, %dma_wait3A_137] : memref<4x16xi32, #tpu.memory_space<vmem>> -> memref<1x16xi32, #tpu.memory_space<vmem>>
    %dma_wait3A_139 = tpu.memref_squeeze %dma_wait3A_138 : memref<1x16xi32, #tpu.memory_space<vmem>> -> memref<16xi32, #tpu.memory_space<vmem>>
    %dma_wait3A_140 = arith.constant 0 : i32
    %dma_wait3A_141 = arith.constant 0 : i32
    %dma_wait3A_142 = tpu.memref_slice %arg4[%dma_wait3A_140, %dma_wait3A_141] : memref<2048x2048xf32, #tpu.memory_space<hbm>> -> memref<2048x2048xf32, #tpu.memory_space<hbm>>
    %dma_wait3A_143 = tpu.memref_slice %arg8[%dma_wait3A_132] : memref<2x!tpu.dma_semaphore, #tpu.memory_space<semaphore_mem>> -> memref<1x!tpu.dma_semaphore, #tpu.memory_space<semaphore_mem>>
    %dma_wait3A_144 = tpu.memref_squeeze %dma_wait3A_143 : memref<1x!tpu.dma_semaphore, #tpu.memory_space<semaphore_mem>> -> memref<!tpu.dma_semaphore, #tpu.memory_space<semaphore_mem>>
    tpu.wait_indirect_dma semaphore(%dma_wait3A_144 : memref<!tpu.dma_semaphore, #tpu.memory_space<semaphore_mem>>) src(%dma_wait3A_136 : memref<16x2048xf32, #tpu.memory_space<vmem>>) dst(%dma_wait3A_142 : memref<2048x2048xf32, #tpu.memory_space<hbm>>)
    %add3A_145 = arith.constant 48 : i32
    %add3A_146 = arith.addi %mul3A_2, %add3A_145 : i32
    %dma_start3A_147 = arith.constant 1 : i32
    %dma_start3A_148 = arith.constant 1 : i32
    %dma_start3A_149 = arith.constant 0 : i32
    %dma_start3A_150 = arith.constant 0 : i32
    %dma_start3A_151 = tpu.memref_slice %arg6[%dma_start3A_147, %dma_start3A_149, %dma_start3A_150] : memref<2x16x2048xf32, #tpu.memory_space<vmem>> -> memref<1x16x2048xf32, #tpu.memory_space<vmem>>
    %dma_start3A_152 = tpu.memref_squeeze %dma_start3A_151 : memref<1x16x2048xf32, #tpu.memory_space<vmem>> -> memref<16x2048xf32, #tpu.memory_space<vmem>>
    %dma_start3A_153 = arith.constant 0 : i32
    %dma_start3A_154 = tpu.memref_slice %arg2[%add3A_146, %dma_start3A_153] : memref<2048x2048xf32, #tpu.memory_space<hbm>> -> memref<16x2048xf32, #tpu.memory_space<hbm>>
    %dma_start3A_155 = tpu.memref_slice %arg7[%dma_start3A_148] : memref<2x!tpu.dma_semaphore, #tpu.memory_space<semaphore_mem>> -> memref<1x!tpu.dma_semaphore, #tpu.memory_space<semaphore_mem>>
    %dma_start3A_156 = tpu.memref_squeeze %dma_start3A_155 : memref<1x!tpu.dma_semaphore, #tpu.memory_space<semaphore_mem>> -> memref<!tpu.dma_semaphore, #tpu.memory_space<semaphore_mem>>
    %dma_start3A_157 = arith.constant 0 : i32
    %dma_start3A_158 = arith.constant 0 : i32
    %dma_start3A_159 = tpu.memref_slice %arg6[%dma_start3A_147, %dma_start3A_157, %dma_start3A_158] : memref<2x16x2048xf32, #tpu.memory_space<vmem>> -> memref<1x16x2048xf32, #tpu.memory_space<vmem>>
    %dma_start3A_160 = tpu.memref_squeeze %dma_start3A_159 : memref<1x16x2048xf32, #tpu.memory_space<vmem>> -> memref<16x2048xf32, #tpu.memory_space<vmem>>
    %dma_start3A_161 = arith.constant 0 : i32
    %dma_start3A_162 = tpu.memref_slice %arg2[%add3A_146, %dma_start3A_161] : memref<2048x2048xf32, #tpu.memory_space<hbm>> -> memref<16x2048xf32, #tpu.memory_space<hbm>>
    tpu.enqueue_dma source(%dma_start3A_162 : memref<16x2048xf32, #tpu.memory_space<hbm>>) target(%dma_start3A_160 : memref<16x2048xf32, #tpu.memory_space<vmem>>) target_semaphore(%dma_start3A_156 : memref<!tpu.dma_semaphore, #tpu.memory_space<semaphore_mem>>)
    %dma_wait3A_163 = arith.constant 0 : i32
    %dma_wait3A_164 = arith.constant 0 : i32
    %dma_wait3A_165 = arith.constant 0 : i32
    %dma_wait3A_166 = arith.constant 0 : i32
    %dma_wait3A_167 = tpu.memref_slice %arg6[%dma_wait3A_163, %dma_wait3A_165, %dma_wait3A_166] : memref<2x16x2048xf32, #tpu.memory_space<vmem>> -> memref<1x16x2048xf32, #tpu.memory_space<vmem>>
    %dma_wait3A_168 = tpu.memref_squeeze %dma_wait3A_167 : memref<1x16x2048xf32, #tpu.memory_space<vmem>> -> memref<16x2048xf32, #tpu.memory_space<vmem>>
    %dma_wait3A_169 = arith.constant 0 : i32
    %dma_wait3A_170 = tpu.memref_slice %arg2[%add3A_82, %dma_wait3A_169] : memref<2048x2048xf32, #tpu.memory_space<hbm>> -> memref<16x2048xf32, #tpu.memory_space<hbm>>
    %dma_wait3A_171 = tpu.memref_slice %arg7[%dma_wait3A_164] : memref<2x!tpu.dma_semaphore, #tpu.memory_space<semaphore_mem>> -> memref<1x!tpu.dma_semaphore, #tpu.memory_space<semaphore_mem>>
    %dma_wait3A_172 = tpu.memref_squeeze %dma_wait3A_171 : memref<1x!tpu.dma_semaphore, #tpu.memory_space<semaphore_mem>> -> memref<!tpu.dma_semaphore, #tpu.memory_space<semaphore_mem>>
    %dma_wait3A_173 = arith.constant 0 : i32
    %dma_wait3A_174 = arith.constant 0 : i32
    %dma_wait3A_175 = tpu.memref_slice %arg6[%dma_wait3A_163, %dma_wait3A_173, %dma_wait3A_174] : memref<2x16x2048xf32, #tpu.memory_space<vmem>> -> memref<1x16x2048xf32, #tpu.memory_space<vmem>>
    %dma_wait3A_176 = tpu.memref_squeeze %dma_wait3A_175 : memref<1x16x2048xf32, #tpu.memory_space<vmem>> -> memref<16x2048xf32, #tpu.memory_space<vmem>>
    %dma_wait3A_177 = arith.constant 0 : i32
    %dma_wait3A_178 = tpu.memref_slice %arg2[%add3A_82, %dma_wait3A_177] : memref<2048x2048xf32, #tpu.memory_space<hbm>> -> memref<16x2048xf32, #tpu.memory_space<hbm>>
    tpu.wait_dma2 semaphore(%dma_wait3A_172 : memref<!tpu.dma_semaphore, #tpu.memory_space<semaphore_mem>>) src(%dma_wait3A_178 : memref<16x2048xf32, #tpu.memory_space<hbm>>) dst(%dma_wait3A_176 : memref<16x2048xf32, #tpu.memory_space<vmem>>)
    %dma_start3A_179 = arith.constant 0 : i32
    %dma_start3A_180 = arith.constant 2 : i32
    %dma_start3A_181 = arith.constant 0 : i32
    %dma_start3A_182 = arith.constant 0 : i32
    %dma_start3A_183 = arith.constant 0 : i32
    %dma_start3A_184 = tpu.memref_slice %arg6[%dma_start3A_179, %dma_start3A_182, %dma_start3A_183] : memref<2x16x2048xf32, #tpu.memory_space<vmem>> -> memref<1x16x2048xf32, #tpu.memory_space<vmem>>
    %dma_start3A_185 = tpu.memref_squeeze %dma_start3A_184 : memref<1x16x2048xf32, #tpu.memory_space<vmem>> -> memref<16x2048xf32, #tpu.memory_space<vmem>>
    %dma_start3A_186 = arith.constant 0 : i32
    %dma_start3A_187 = tpu.memref_slice %arg5[%dma_start3A_180, %dma_start3A_186] : memref<4x16xi32, #tpu.memory_space<vmem>> -> memref<1x16xi32, #tpu.memory_space<vmem>>
    %dma_start3A_188 = tpu.memref_squeeze %dma_start3A_187 : memref<1x16xi32, #tpu.memory_space<vmem>> -> memref<16xi32, #tpu.memory_space<vmem>>
    %dma_start3A_189 = arith.constant 0 : i32
    %dma_start3A_190 = arith.constant 0 : i32
    %dma_start3A_191 = tpu.memref_slice %arg4[%dma_start3A_189, %dma_start3A_190] : memref<2048x2048xf32, #tpu.memory_space<hbm>> -> memref<2048x2048xf32, #tpu.memory_space<hbm>>
    %dma_start3A_192 = tpu.memref_slice %arg8[%dma_start3A_181] : memref<2x!tpu.dma_semaphore, #tpu.memory_space<semaphore_mem>> -> memref<1x!tpu.dma_semaphore, #tpu.memory_space<semaphore_mem>>
    %dma_start3A_193 = tpu.memref_squeeze %dma_start3A_192 : memref<1x!tpu.dma_semaphore, #tpu.memory_space<semaphore_mem>> -> memref<!tpu.dma_semaphore, #tpu.memory_space<semaphore_mem>>
    tpu.enqueue_indirect_dma source(%dma_start3A_185 : memref<16x2048xf32, #tpu.memory_space<vmem>>) target(%dma_start3A_191 : memref<2048x2048xf32, #tpu.memory_space<hbm>>) offsets(%dma_start3A_188 : memref<16xi32, #tpu.memory_space<vmem>>) semaphore(%dma_start3A_193 : memref<!tpu.dma_semaphore, #tpu.memory_space<semaphore_mem>>)
    %dma_wait3A_194 = arith.constant 0 : i32
    %dma_wait3A_195 = arith.constant 2 : i32
    %dma_wait3A_196 = arith.constant 0 : i32
    %dma_wait3A_197 = arith.constant 0 : i32
    %dma_wait3A_198 = arith.constant 0 : i32
    %dma_wait3A_199 = tpu.memref_slice %arg6[%dma_wait3A_194, %dma_wait3A_197, %dma_wait3A_198] : memref<2x16x2048xf32, #tpu.memory_space<vmem>> -> memref<1x16x2048xf32, #tpu.memory_space<vmem>>
    %dma_wait3A_200 = tpu.memref_squeeze %dma_wait3A_199 : memref<1x16x2048xf32, #tpu.memory_space<vmem>> -> memref<16x2048xf32, #tpu.memory_space<vmem>>
    %dma_wait3A_201 = arith.constant 0 : i32
    %dma_wait3A_202 = tpu.memref_slice %arg5[%dma_wait3A_195, %dma_wait3A_201] : memref<4x16xi32, #tpu.memory_space<vmem>> -> memref<1x16xi32, #tpu.memory_space<vmem>>
    %dma_wait3A_203 = tpu.memref_squeeze %dma_wait3A_202 : memref<1x16xi32, #tpu.memory_space<vmem>> -> memref<16xi32, #tpu.memory_space<vmem>>
    %dma_wait3A_204 = arith.constant 0 : i32
    %dma_wait3A_205 = arith.constant 0 : i32
    %dma_wait3A_206 = tpu.memref_slice %arg4[%dma_wait3A_204, %dma_wait3A_205] : memref<2048x2048xf32, #tpu.memory_space<hbm>> -> memref<2048x2048xf32, #tpu.memory_space<hbm>>
    %dma_wait3A_207 = tpu.memref_slice %arg8[%dma_wait3A_196] : memref<2x!tpu.dma_semaphore, #tpu.memory_space<semaphore_mem>> -> memref<1x!tpu.dma_semaphore, #tpu.memory_space<semaphore_mem>>
    %dma_wait3A_208 = tpu.memref_squeeze %dma_wait3A_207 : memref<1x!tpu.dma_semaphore, #tpu.memory_space<semaphore_mem>> -> memref<!tpu.dma_semaphore, #tpu.memory_space<semaphore_mem>>
    tpu.wait_indirect_dma semaphore(%dma_wait3A_208 : memref<!tpu.dma_semaphore, #tpu.memory_space<semaphore_mem>>) src(%dma_wait3A_200 : memref<16x2048xf32, #tpu.memory_space<vmem>>) dst(%dma_wait3A_206 : memref<2048x2048xf32, #tpu.memory_space<hbm>>)
    %dma_wait3A_209 = arith.constant 1 : i32
    %dma_wait3A_210 = arith.constant 1 : i32
    %dma_wait3A_211 = arith.constant 0 : i32
    %dma_wait3A_212 = arith.constant 0 : i32
    %dma_wait3A_213 = tpu.memref_slice %arg6[%dma_wait3A_209, %dma_wait3A_211, %dma_wait3A_212] : memref<2x16x2048xf32, #tpu.memory_space<vmem>> -> memref<1x16x2048xf32, #tpu.memory_space<vmem>>
    %dma_wait3A_214 = tpu.memref_squeeze %dma_wait3A_213 : memref<1x16x2048xf32, #tpu.memory_space<vmem>> -> memref<16x2048xf32, #tpu.memory_space<vmem>>
    %dma_wait3A_215 = arith.constant 0 : i32
    %dma_wait3A_216 = tpu.memref_slice %arg2[%add3A_146, %dma_wait3A_215] : memref<2048x2048xf32, #tpu.memory_space<hbm>> -> memref<16x2048xf32, #tpu.memory_space<hbm>>
    %dma_wait3A_217 = tpu.memref_slice %arg7[%dma_wait3A_210] : memref<2x!tpu.dma_semaphore, #tpu.memory_space<semaphore_mem>> -> memref<1x!tpu.dma_semaphore, #tpu.memory_space<semaphore_mem>>
    %dma_wait3A_218 = tpu.memref_squeeze %dma_wait3A_217 : memref<1x!tpu.dma_semaphore, #tpu.memory_space<semaphore_mem>> -> memref<!tpu.dma_semaphore, #tpu.memory_space<semaphore_mem>>
    %dma_wait3A_219 = arith.constant 0 : i32
    %dma_wait3A_220 = arith.constant 0 : i32
    %dma_wait3A_221 = tpu.memref_slice %arg6[%dma_wait3A_209, %dma_wait3A_219, %dma_wait3A_220] : memref<2x16x2048xf32, #tpu.memory_space<vmem>> -> memref<1x16x2048xf32, #tpu.memory_space<vmem>>
    %dma_wait3A_222 = tpu.memref_squeeze %dma_wait3A_221 : memref<1x16x2048xf32, #tpu.memory_space<vmem>> -> memref<16x2048xf32, #tpu.memory_space<vmem>>
    %dma_wait3A_223 = arith.constant 0 : i32
    %dma_wait3A_224 = tpu.memref_slice %arg2[%add3A_146, %dma_wait3A_223] : memref<2048x2048xf32, #tpu.memory_space<hbm>> -> memref<16x2048xf32, #tpu.memory_space<hbm>>
    tpu.wait_dma2 semaphore(%dma_wait3A_218 : memref<!tpu.dma_semaphore, #tpu.memory_space<semaphore_mem>>) src(%dma_wait3A_224 : memref<16x2048xf32, #tpu.memory_space<hbm>>) dst(%dma_wait3A_222 : memref<16x2048xf32, #tpu.memory_space<vmem>>)
    %dma_start3A_225 = arith.constant 1 : i32
    %dma_start3A_226 = arith.constant 3 : i32
    %dma_start3A_227 = arith.constant 1 : i32
    %dma_start3A_228 = arith.constant 0 : i32
    %dma_start3A_229 = arith.constant 0 : i32
    %dma_start3A_230 = tpu.memref_slice %arg6[%dma_start3A_225, %dma_start3A_228, %dma_start3A_229] : memref<2x16x2048xf32, #tpu.memory_space<vmem>> -> memref<1x16x2048xf32, #tpu.memory_space<vmem>>
    %dma_start3A_231 = tpu.memref_squeeze %dma_start3A_230 : memref<1x16x2048xf32, #tpu.memory_space<vmem>> -> memref<16x2048xf32, #tpu.memory_space<vmem>>
    %dma_start3A_232 = arith.constant 0 : i32
    %dma_start3A_233 = tpu.memref_slice %arg5[%dma_start3A_226, %dma_start3A_232] : memref<4x16xi32, #tpu.memory_space<vmem>> -> memref<1x16xi32, #tpu.memory_space<vmem>>
    %dma_start3A_234 = tpu.memref_squeeze %dma_start3A_233 : memref<1x16xi32, #tpu.memory_space<vmem>> -> memref<16xi32, #tpu.memory_space<vmem>>
    %dma_start3A_235 = arith.constant 0 : i32
    %dma_start3A_236 = arith.constant 0 : i32
    %dma_start3A_237 = tpu.memref_slice %arg4[%dma_start3A_235, %dma_start3A_236] : memref<2048x2048xf32, #tpu.memory_space<hbm>> -> memref<2048x2048xf32, #tpu.memory_space<hbm>>
    %dma_start3A_238 = tpu.memref_slice %arg8[%dma_start3A_227] : memref<2x!tpu.dma_semaphore, #tpu.memory_space<semaphore_mem>> -> memref<1x!tpu.dma_semaphore, #tpu.memory_space<semaphore_mem>>
    %dma_start3A_239 = tpu.memref_squeeze %dma_start3A_238 : memref<1x!tpu.dma_semaphore, #tpu.memory_space<semaphore_mem>> -> memref<!tpu.dma_semaphore, #tpu.memory_space<semaphore_mem>>
    tpu.enqueue_indirect_dma source(%dma_start3A_231 : memref<16x2048xf32, #tpu.memory_space<vmem>>) target(%dma_start3A_237 : memref<2048x2048xf32, #tpu.memory_space<hbm>>) offsets(%dma_start3A_234 : memref<16xi32, #tpu.memory_space<vmem>>) semaphore(%dma_start3A_239 : memref<!tpu.dma_semaphore, #tpu.memory_space<semaphore_mem>>)
    %dma_wait3A_240 = arith.constant 1 : i32
    %dma_wait3A_241 = arith.constant 3 : i32
    %dma_wait3A_242 = arith.constant 1 : i32
    %dma_wait3A_243 = arith.constant 0 : i32
    %dma_wait3A_244 = arith.constant 0 : i32
    %dma_wait3A_245 = tpu.memref_slice %arg6[%dma_wait3A_240, %dma_wait3A_243, %dma_wait3A_244] : memref<2x16x2048xf32, #tpu.memory_space<vmem>> -> memref<1x16x2048xf32, #tpu.memory_space<vmem>>
    %dma_wait3A_246 = tpu.memref_squeeze %dma_wait3A_245 : memref<1x16x2048xf32, #tpu.memory_space<vmem>> -> memref<16x2048xf32, #tpu.memory_space<vmem>>
    %dma_wait3A_247 = arith.constant 0 : i32
    %dma_wait3A_248 = tpu.memref_slice %arg5[%dma_wait3A_241, %dma_wait3A_247] : memref<4x16xi32, #tpu.memory_space<vmem>> -> memref<1x16xi32, #tpu.memory_space<vmem>>
    %dma_wait3A_249 = tpu.memref_squeeze %dma_wait3A_248 : memref<1x16xi32, #tpu.memory_space<vmem>> -> memref<16xi32, #tpu.memory_space<vmem>>
    %dma_wait3A_250 = arith.constant 0 : i32
    %dma_wait3A_251 = arith.constant 0 : i32
    %dma_wait3A_252 = tpu.memref_slice %arg4[%dma_wait3A_250, %dma_wait3A_251] : memref<2048x2048xf32, #tpu.memory_space<hbm>> -> memref<2048x2048xf32, #tpu.memory_space<hbm>>
    %dma_wait3A_253 = tpu.memref_slice %arg8[%dma_wait3A_242] : memref<2x!tpu.dma_semaphore, #tpu.memory_space<semaphore_mem>> -> memref<1x!tpu.dma_semaphore, #tpu.memory_space<semaphore_mem>>
    %dma_wait3A_254 = tpu.memref_squeeze %dma_wait3A_253 : memref<1x!tpu.dma_semaphore, #tpu.memory_space<semaphore_mem>> -> memref<!tpu.dma_semaphore, #tpu.memory_space<semaphore_mem>>
    tpu.wait_indirect_dma semaphore(%dma_wait3A_254 : memref<!tpu.dma_semaphore, #tpu.memory_space<semaphore_mem>>) src(%dma_wait3A_246 : memref<16x2048xf32, #tpu.memory_space<vmem>>) dst(%dma_wait3A_252 : memref<2048x2048xf32, #tpu.memory_space<hbm>>)
    return
  }
}

module attributes {stable_mosaic.version = 14 : i64} {
  func.func @_router_body(%arg0: i32, %arg1: memref<512x2048xf32, #tpu.memory_space<vmem>>, %arg2: memref<2x2048xf32, #tpu.memory_space<vmem>>, %arg3: memref<512x1xi32, #tpu.memory_space<vmem>>, %arg4: memref<512x1xf32, #tpu.memory_space<vmem>>) attributes {dimension_semantics = [#tpu.dimension_semantics<arbitrary>], iteration_bounds = array<i64: 4>, scalar_prefetch = 0 : i64, scratch_operands = 0 : i64, tpu.core_type = #tpu.core_type<tc>, window_params = [{transform_indices = @transform_0, window_bounds = array<i64: 512, 2048>}, {pipeline_mode = #tpu.pipeline_mode<synchronous>, transform_indices = @transform_1, window_bounds = array<i64: 2, 2048>}, {transform_indices = @transform_2, window_bounds = array<i64: 512, 1>}, {transform_indices = @transform_3, window_bounds = array<i64: 512, 1>}]} {
    %get3A = arith.constant 0 : index
    %get3A_0 = arith.constant 0 : index
    %get3A_1 = vector.load %arg1[%get3A, %get3A_0] : memref<512x2048xf32, #tpu.memory_space<vmem>>, vector<512x2048xf32>
    %get3A_2 = arith.constant 0 : index
    %get3A_3 = arith.constant 0 : index
    %get3A_4 = vector.load %arg2[%get3A_2, %get3A_3] : memref<2x2048xf32, #tpu.memory_space<vmem>>, vector<2x2048xf32>
    %dot_general3A = arith.constant dense<0.000000e+00> : vector<512x2xf32>
    %dot_general3A_5 = tpu.matmul %get3A_1, %get3A_4, %dot_general3A {dimension_numbers = #tpu.dot_dimension_numbers<[1], [1], [0], [0], [0, 0, 1, 0], [], []>, transpose_lhs_hint = false} : vector<512x2048xf32>, vector<2x2048xf32>, vector<512x2xf32> -> vector<512x2xf32>
    %slice3A = vector.extract_strided_slice %dot_general3A_5 {offsets = [0, 1], sizes = [512, 1], strides = [1, 1]} : vector<512x2xf32> to vector<512x1xf32>
    %slice3A_6 = vector.extract_strided_slice %dot_general3A_5 {offsets = [0, 0], sizes = [512, 1], strides = [1, 1]} : vector<512x2xf32> to vector<512x1xf32>
    %sub3A = arith.subf %slice3A, %slice3A_6 : vector<512x1xf32>
    %gt3A = arith.constant 0.000000e+00 : f32
    %gt3A_7 = vector.broadcast %gt3A : f32 to vector<512x1xf32>
    %gt3A_8 = arith.cmpf ogt, %sub3A, %gt3A_7 : vector<512x1xf32>
    %convert_element_type3A = arith.extui %gt3A_8 : vector<512x1xi1> to vector<512x1xi32>
    %swap3A = arith.constant 0 : index
    %swap3A_9 = arith.constant 0 : index
    %swap3A_10 = vector.load %arg3[%swap3A, %swap3A_9] : memref<512x1xi32, #tpu.memory_space<vmem>>, vector<512x1xi32>
    tpu.vector_store %arg3[%swap3A, %swap3A_9], %convert_element_type3A {strides = array<i32>} : memref<512x1xi32, #tpu.memory_space<vmem>>, vector<512x1xi32>,
    %abs3A = math.absf %sub3A : vector<512x1xf32>
    %logistic3A = arith.negf %abs3A : vector<512x1xf32>
    %logistic3A_11 = math.exp %logistic3A : vector<512x1xf32>
    %logistic3A_12 = arith.constant 1.000000e+00 : f32
    %logistic3A_13 = vector.broadcast %logistic3A_12 : f32 to vector<512x1xf32>
    %logistic3A_14 = arith.addf %logistic3A_13, %logistic3A_11 : vector<512x1xf32>
    %logistic3A_15 = arith.divf %logistic3A_13, %logistic3A_14 : vector<512x1xf32>
    %swap3A_16 = arith.constant 0 : index
    %swap3A_17 = arith.constant 0 : index
    %swap3A_18 = vector.load %arg4[%swap3A_16, %swap3A_17] : memref<512x1xf32, #tpu.memory_space<vmem>>, vector<512x1xf32>
    tpu.vector_store %arg4[%swap3A_16, %swap3A_17], %logistic3A_15 {strides = array<i32>} : memref<512x1xf32, #tpu.memory_space<vmem>>, vector<512x1xf32>,
    return
  }
  func.func @transform_0(%arg0: i32) -> (i32, i32) {
    %c0_i32 = arith.constant 0 : i32
    %c0_i32_0 = arith.constant 0 : i32
    return %arg0, %c0_i32 : i32, i32
  }
  func.func @transform_1(%arg0: i32) -> (i32, i32) {
    %c0_i32 = arith.constant 0 : i32
    %c0_i32_0 = arith.constant 0 : i32
    %c0_i32_1 = arith.constant 0 : i32
    return %c0_i32, %c0_i32_0 : i32, i32
  }
  func.func @transform_2(%arg0: i32) -> (i32, i32) {
    %c0_i32 = arith.constant 0 : i32
    %c0_i32_0 = arith.constant 0 : i32
    return %arg0, %c0_i32 : i32, i32
  }
  func.func @transform_3(%arg0: i32) -> (i32, i32) {
    %c0_i32 = arith.constant 0 : i32
    %c0_i32_0 = arith.constant 0 : i32
    return %arg0, %c0_i32 : i32, i32
  }
}

module attributes {stable_mosaic.version = 14 : i64} {
  func.func @_ffn_body(%arg0: i32, %arg1: memref<32xi32, #tpu.memory_space<smem>>, %arg2: memref<32xi32, #tpu.memory_space<smem>>, %arg3: memref<32xi32, #tpu.memory_space<smem>>, %arg4: memref<32xi32, #tpu.memory_space<smem>>, %arg5: memref<32xi32, #tpu.memory_space<smem>>, %arg6: memref<5xi32, #tpu.memory_space<smem>>, %arg7: memref<2048x2048xf32, #tpu.memory_space<vmem>>, %arg8: memref<1x512x2048xf32, #tpu.memory_space<vmem>>, %arg9: memref<1x2048x512xf32, #tpu.memory_space<vmem>>, %arg10: memref<5x512x1xf32, #tpu.memory_space<vmem>>, %arg11: memref<2048x2048xf32, #tpu.memory_space<vmem>>) attributes {dimension_semantics = [#tpu.dimension_semantics<arbitrary>], iteration_bounds = array<i64: 32>, scalar_prefetch = 6 : i64, scratch_operands = 0 : i64, tpu.core_type = #tpu.core_type<tc>, window_params = [{pipeline_mode = #tpu.pipeline_mode<synchronous>, transform_indices = @transform_0, window_bounds = array<i64: 2048, 2048>}, {transform_indices = @transform_1, window_bounds = array<i64: 1, 512, 2048>}, {transform_indices = @transform_2, window_bounds = array<i64: 1, 2048, 512>}, {pipeline_mode = #tpu.pipeline_mode<synchronous>, transform_indices = @transform_3, window_bounds = array<i64: 5, 512, 1>}, {pipeline_mode = #tpu.pipeline_mode<synchronous>, transform_indices = @transform_4, window_bounds = array<i64: 2048, 2048>}]} {
    %get3A = arith.index_cast %arg0 : i32 to index
    %get3A_0 = memref.load %arg2[%get3A] : memref<32xi32, #tpu.memory_space<smem>>
    %eq3A = arith.constant 0 : i32
    %eq3A_1 = arith.cmpi eq, %get3A_0, %eq3A : i32
    %get3A_2 = arith.index_cast %arg0 : i32 to index
    %get3A_3 = memref.load %arg4[%get3A_2] : memref<32xi32, #tpu.memory_space<smem>>
    %get3A_4 = arith.index_cast %arg0 : i32 to index
    %get3A_5 = memref.load %arg5[%get3A_4] : memref<32xi32, #tpu.memory_space<smem>>
    %get3A_6 = arith.index_cast %arg0 : i32 to index
    %get3A_7 = memref.load %arg3[%get3A_6] : memref<32xi32, #tpu.memory_space<smem>>
    %while3A = arith.constant 0 : i32
    %while3A_8 = arith.constant 0 : i32
    %while3A_9 = arith.subi %get3A_7, %while3A_8 : i32
    %while3A_10 = arith.addi %while3A_8, %while3A_9 : i32
    %while3A_11 = arith.constant 1 : i32
    %while3A_12 = arith.divsi %while3A_9, %while3A_11 : i32
    %while3A_13 = arith.muli %while3A_12, %while3A_11 : i32
    %while3A_14 = arith.addi %while3A_8, %while3A_13 : i32
    %while3A_15 = arith.constant 1 : i32
    scf.for %while3A_17 = %while3A_8 to %while3A_14 step %while3A_15  : i32 {
      %add3A = arith.addi %get3A_5, %while3A_17 : i32
      %min3A = arith.constant 3 : i32
      %min3A_18 = arith.minsi %add3A, %min3A : i32
      %mul3A = arith.constant 512 : i32
      %mul3A_19 = arith.muli %min3A_18, %mul3A : i32
      %add3A_20 = arith.addi %get3A_3, %while3A_17 : i32
      %get3A_21 = arith.index_cast %add3A_20 : i32 to index
      %get3A_22 = memref.load %arg6[%get3A_21] : memref<5xi32, #tpu.memory_space<smem>>
      %eq3A_23 = arith.constant 1 : i32
      %eq3A_24 = arith.cmpi eq, %get3A_22, %eq3A_23 : i32
      %and3A = arith.andi %eq3A_1, %eq3A_24 : i1
      %convert_element_type3A = arith.extui %and3A : i1 to i32
      %cond3A = arith.constant 0 : i32
      %cond3A_25 = arith.cmpi ne, %convert_element_type3A, %cond3A : i32
      scf.if %cond3A_25 {
        %broadcast_in_dim3A = arith.constant 0.000000e+00 : f32
        %broadcast_in_dim3A_61 = vector.broadcast %broadcast_in_dim3A : f32 to vector<512x2048xf32>
        %swap3A_62 = arith.index_cast %mul3A_19 : i32 to index
        %swap3A_63 = arith.constant 0 : index
        %swap3A_64 = vector.load %arg11[%swap3A_62, %swap3A_63] : memref<2048x2048xf32, #tpu.memory_space<vmem>>, vector<512x2048xf32>
        tpu.vector_store %arg11[%swap3A_62, %swap3A_63], %broadcast_in_dim3A_61 {strides = array<i32>} : memref<2048x2048xf32, #tpu.memory_space<vmem>>, vector<512x2048xf32>,
      } else {
      }
      %get3A_26 = arith.index_cast %mul3A_19 : i32 to index
      %get3A_27 = arith.constant 0 : index
      %get3A_28 = vector.load %arg7[%get3A_26, %get3A_27] : memref<2048x2048xf32, #tpu.memory_space<vmem>>, vector<512x2048xf32>
      %get3A_29 = arith.constant 0 : index
      %get3A_30 = arith.constant 0 : index
      %get3A_31 = arith.constant 0 : index
      %get3A_32 = vector.load %arg8[%get3A_29, %get3A_30, %get3A_31] : memref<1x512x2048xf32, #tpu.memory_space<vmem>>, vector<1x512x2048xf32>
      %get3A_33 = vector.shape_cast %get3A_32 : vector<1x512x2048xf32> to vector<512x2048xf32>
      %dot_general3A = arith.constant dense<0.000000e+00> : vector<512x512xf32>
      %dot_general3A_34 = tpu.matmul %get3A_28, %get3A_33, %dot_general3A {dimension_numbers = #tpu.dot_dimension_numbers<[1], [1], [0], [0], [0, 0, 1, 0], [], []>, transpose_lhs_hint = false} : vector<512x2048xf32>, vector<512x2048xf32>, vector<512x512xf32> -> vector<512x512xf32>
      %gt3A = arith.constant 0.000000e+00 : f32
      %gt3A_35 = vector.broadcast %gt3A : f32 to vector<512x512xf32>
      %gt3A_36 = arith.cmpf ogt, %dot_general3A_34, %gt3A_35 : vector<512x512xf32>
      %mul3A_37 = arith.constant 5.000000e-01 : f32
      %mul3A_38 = vector.broadcast %mul3A_37 : f32 to vector<512x512xf32>
      %mul3A_39 = arith.mulf %mul3A_38, %dot_general3A_34 : vector<512x512xf32>
      %select_n3A = arith.select %gt3A_36, %dot_general3A_34, %mul3A_39 : vector<512x512xi1>, vector<512x512xf32>
      %mul3A_40 = arith.mulf %select_n3A, %select_n3A : vector<512x512xf32>
      %get3A_41 = arith.index_cast %add3A_20 : i32 to index
      %get3A_42 = arith.constant 0 : index
      %get3A_43 = arith.constant 0 : index
      %get3A_44 = vector.load %arg10[%get3A_41, %get3A_42, %get3A_43] : memref<5x512x1xf32, #tpu.memory_space<vmem>>, vector<1x512x1xf32>
      %get3A_45 = vector.shape_cast %get3A_44 : vector<1x512x1xf32> to vector<512x1xf32>
      %mul3A_46 = vector.broadcast %get3A_45 : vector<512x1xf32> to vector<512x512xf32>
      %mul3A_47 = arith.mulf %mul3A_40, %mul3A_46 : vector<512x512xf32>
      %get3A_48 = arith.index_cast %mul3A_19 : i32 to index
      %get3A_49 = arith.constant 0 : index
      %get3A_50 = vector.load %arg11[%get3A_48, %get3A_49] : memref<2048x2048xf32, #tpu.memory_space<vmem>>, vector<512x2048xf32>
      %get3A_51 = arith.constant 0 : index
      %get3A_52 = arith.constant 0 : index
      %get3A_53 = arith.constant 0 : index
      %get3A_54 = vector.load %arg9[%get3A_51, %get3A_52, %get3A_53] : memref<1x2048x512xf32, #tpu.memory_space<vmem>>, vector<1x2048x512xf32>
      %get3A_55 = vector.shape_cast %get3A_54 : vector<1x2048x512xf32> to vector<2048x512xf32>
      %dot_general3A_56 = arith.constant dense<0.000000e+00> : vector<512x2048xf32>
      %dot_general3A_57 = tpu.matmul %mul3A_47, %get3A_55, %dot_general3A_56 {dimension_numbers = #tpu.dot_dimension_numbers<[1], [1], [0], [0], [0, 0, 1, 0], [], []>, transpose_lhs_hint = false} : vector<512x512xf32>, vector<2048x512xf32>, vector<512x2048xf32> -> vector<512x2048xf32>
      %add3A_58 = arith.addf %get3A_50, %dot_general3A_57 : vector<512x2048xf32>
      %swap3A = arith.index_cast %mul3A_19 : i32 to index
      %swap3A_59 = arith.constant 0 : index
      %swap3A_60 = vector.load %arg11[%swap3A, %swap3A_59] : memref<2048x2048xf32, #tpu.memory_space<vmem>>, vector<512x2048xf32>
      tpu.vector_store %arg11[%swap3A, %swap3A_59], %add3A_58 {strides = array<i32>} : memref<2048x2048xf32, #tpu.memory_space<vmem>>, vector<512x2048xf32>,
    }
    %while3A_16 = arith.constant 1 : i32
    scf.for %while3A_17 = %while3A_14 to %while3A_10 step %while3A_16  : i32 {
      %add3A = arith.addi %get3A_5, %while3A_17 : i32
      %min3A = arith.constant 3 : i32
      %min3A_18 = arith.minsi %add3A, %min3A : i32
      %mul3A = arith.constant 512 : i32
      %mul3A_19 = arith.muli %min3A_18, %mul3A : i32
      %add3A_20 = arith.addi %get3A_3, %while3A_17 : i32
      %get3A_21 = arith.index_cast %add3A_20 : i32 to index
      %get3A_22 = memref.load %arg6[%get3A_21] : memref<5xi32, #tpu.memory_space<smem>>
      %eq3A_23 = arith.constant 1 : i32
      %eq3A_24 = arith.cmpi eq, %get3A_22, %eq3A_23 : i32
      %and3A = arith.andi %eq3A_1, %eq3A_24 : i1
      %convert_element_type3A = arith.extui %and3A : i1 to i32
      %cond3A = arith.constant 0 : i32
      %cond3A_25 = arith.cmpi ne, %convert_element_type3A, %cond3A : i32
      scf.if %cond3A_25 {
        %broadcast_in_dim3A = arith.constant 0.000000e+00 : f32
        %broadcast_in_dim3A_61 = vector.broadcast %broadcast_in_dim3A : f32 to vector<512x2048xf32>
        %swap3A_62 = arith.index_cast %mul3A_19 : i32 to index
        %swap3A_63 = arith.constant 0 : index
        %swap3A_64 = vector.load %arg11[%swap3A_62, %swap3A_63] : memref<2048x2048xf32, #tpu.memory_space<vmem>>, vector<512x2048xf32>
        tpu.vector_store %arg11[%swap3A_62, %swap3A_63], %broadcast_in_dim3A_61 {strides = array<i32>} : memref<2048x2048xf32, #tpu.memory_space<vmem>>, vector<512x2048xf32>,
      } else {
      }
      %get3A_26 = arith.index_cast %mul3A_19 : i32 to index
      %get3A_27 = arith.constant 0 : index
      %get3A_28 = vector.load %arg7[%get3A_26, %get3A_27] : memref<2048x2048xf32, #tpu.memory_space<vmem>>, vector<512x2048xf32>
      %get3A_29 = arith.constant 0 : index
      %get3A_30 = arith.constant 0 : index
      %get3A_31 = arith.constant 0 : index
      %get3A_32 = vector.load %arg8[%get3A_29, %get3A_30, %get3A_31] : memref<1x512x2048xf32, #tpu.memory_space<vmem>>, vector<1x512x2048xf32>
      %get3A_33 = vector.shape_cast %get3A_32 : vector<1x512x2048xf32> to vector<512x2048xf32>
      %dot_general3A = arith.constant dense<0.000000e+00> : vector<512x512xf32>
      %dot_general3A_34 = tpu.matmul %get3A_28, %get3A_33, %dot_general3A {dimension_numbers = #tpu.dot_dimension_numbers<[1], [1], [0], [0], [0, 0, 1, 0], [], []>, transpose_lhs_hint = false} : vector<512x2048xf32>, vector<512x2048xf32>, vector<512x512xf32> -> vector<512x512xf32>
      %gt3A = arith.constant 0.000000e+00 : f32
      %gt3A_35 = vector.broadcast %gt3A : f32 to vector<512x512xf32>
      %gt3A_36 = arith.cmpf ogt, %dot_general3A_34, %gt3A_35 : vector<512x512xf32>
      %mul3A_37 = arith.constant 5.000000e-01 : f32
      %mul3A_38 = vector.broadcast %mul3A_37 : f32 to vector<512x512xf32>
      %mul3A_39 = arith.mulf %mul3A_38, %dot_general3A_34 : vector<512x512xf32>
      %select_n3A = arith.select %gt3A_36, %dot_general3A_34, %mul3A_39 : vector<512x512xi1>, vector<512x512xf32>
      %mul3A_40 = arith.mulf %select_n3A, %select_n3A : vector<512x512xf32>
      %get3A_41 = arith.index_cast %add3A_20 : i32 to index
      %get3A_42 = arith.constant 0 : index
      %get3A_43 = arith.constant 0 : index
      %get3A_44 = vector.load %arg10[%get3A_41, %get3A_42, %get3A_43] : memref<5x512x1xf32, #tpu.memory_space<vmem>>, vector<1x512x1xf32>
      %get3A_45 = vector.shape_cast %get3A_44 : vector<1x512x1xf32> to vector<512x1xf32>
      %mul3A_46 = vector.broadcast %get3A_45 : vector<512x1xf32> to vector<512x512xf32>
      %mul3A_47 = arith.mulf %mul3A_40, %mul3A_46 : vector<512x512xf32>
      %get3A_48 = arith.index_cast %mul3A_19 : i32 to index
      %get3A_49 = arith.constant 0 : index
      %get3A_50 = vector.load %arg11[%get3A_48, %get3A_49] : memref<2048x2048xf32, #tpu.memory_space<vmem>>, vector<512x2048xf32>
      %get3A_51 = arith.constant 0 : index
      %get3A_52 = arith.constant 0 : index
      %get3A_53 = arith.constant 0 : index
      %get3A_54 = vector.load %arg9[%get3A_51, %get3A_52, %get3A_53] : memref<1x2048x512xf32, #tpu.memory_space<vmem>>, vector<1x2048x512xf32>
      %get3A_55 = vector.shape_cast %get3A_54 : vector<1x2048x512xf32> to vector<2048x512xf32>
      %dot_general3A_56 = arith.constant dense<0.000000e+00> : vector<512x2048xf32>
      %dot_general3A_57 = tpu.matmul %mul3A_47, %get3A_55, %dot_general3A_56 {dimension_numbers = #tpu.dot_dimension_numbers<[1], [1], [0], [0], [0, 0, 1, 0], [], []>, transpose_lhs_hint = false} : vector<512x512xf32>, vector<2048x512xf32>, vector<512x2048xf32> -> vector<512x2048xf32>
      %add3A_58 = arith.addf %get3A_50, %dot_general3A_57 : vector<512x2048xf32>
      %swap3A = arith.index_cast %mul3A_19 : i32 to index
      %swap3A_59 = arith.constant 0 : index
      %swap3A_60 = vector.load %arg11[%swap3A, %swap3A_59] : memref<2048x2048xf32, #tpu.memory_space<vmem>>, vector<512x2048xf32>
      tpu.vector_store %arg11[%swap3A, %swap3A_59], %add3A_58 {strides = array<i32>} : memref<2048x2048xf32, #tpu.memory_space<vmem>>, vector<512x2048xf32>,
    }
    return
  }
  func.func @transform_0(%arg0: i32, %arg1: memref<32xi32, #tpu.memory_space<smem>>, %arg2: memref<32xi32, #tpu.memory_space<smem>>, %arg3: memref<32xi32, #tpu.memory_space<smem>>, %arg4: memref<32xi32, #tpu.memory_space<smem>>, %arg5: memref<32xi32, #tpu.memory_space<smem>>, %arg6: memref<5xi32, #tpu.memory_space<smem>>) -> (i32, i32) {
    %c0_i32 = arith.constant 0 : i32
    %c0_i32_0 = arith.constant 0 : i32
    %c0_i32_1 = arith.constant 0 : i32
    return %c0_i32, %c0_i32_0 : i32, i32
  }
  func.func @transform_1(%arg0: i32, %arg1: memref<32xi32, #tpu.memory_space<smem>>, %arg2: memref<32xi32, #tpu.memory_space<smem>>, %arg3: memref<32xi32, #tpu.memory_space<smem>>, %arg4: memref<32xi32, #tpu.memory_space<smem>>, %arg5: memref<32xi32, #tpu.memory_space<smem>>, %arg6: memref<5xi32, #tpu.memory_space<smem>>) -> (i32, i32, i32) {
    %get3A = arith.index_cast %arg0 : i32 to index
    %get3A_0 = memref.load %arg1[%get3A] : memref<32xi32, #tpu.memory_space<smem>>
    %get3A_1 = arith.index_cast %arg0 : i32 to index
    %get3A_2 = memref.load %arg2[%get3A_1] : memref<32xi32, #tpu.memory_space<smem>>
    %c0_i32 = arith.constant 0 : i32
    %c0_i32_3 = arith.constant 0 : i32
    return %get3A_0, %get3A_2, %c0_i32 : i32, i32, i32
  }
  func.func @transform_2(%arg0: i32, %arg1: memref<32xi32, #tpu.memory_space<smem>>, %arg2: memref<32xi32, #tpu.memory_space<smem>>, %arg3: memref<32xi32, #tpu.memory_space<smem>>, %arg4: memref<32xi32, #tpu.memory_space<smem>>, %arg5: memref<32xi32, #tpu.memory_space<smem>>, %arg6: memref<5xi32, #tpu.memory_space<smem>>) -> (i32, i32, i32) {
    %get3A = arith.index_cast %arg0 : i32 to index
    %get3A_0 = memref.load %arg1[%get3A] : memref<32xi32, #tpu.memory_space<smem>>
    %get3A_1 = arith.index_cast %arg0 : i32 to index
    %get3A_2 = memref.load %arg2[%get3A_1] : memref<32xi32, #tpu.memory_space<smem>>
    %c0_i32 = arith.constant 0 : i32
    %c0_i32_3 = arith.constant 0 : i32
    return %get3A_0, %c0_i32, %get3A_2 : i32, i32, i32
  }
  func.func @transform_3(%arg0: i32, %arg1: memref<32xi32, #tpu.memory_space<smem>>, %arg2: memref<32xi32, #tpu.memory_space<smem>>, %arg3: memref<32xi32, #tpu.memory_space<smem>>, %arg4: memref<32xi32, #tpu.memory_space<smem>>, %arg5: memref<32xi32, #tpu.memory_space<smem>>, %arg6: memref<5xi32, #tpu.memory_space<smem>>) -> (i32, i32, i32) {
    %c0_i32 = arith.constant 0 : i32
    %c0_i32_0 = arith.constant 0 : i32
    %c0_i32_1 = arith.constant 0 : i32
    %c0_i32_2 = arith.constant 0 : i32
    return %c0_i32, %c0_i32_0, %c0_i32_1 : i32, i32, i32
  }
  func.func @transform_4(%arg0: i32, %arg1: memref<32xi32, #tpu.memory_space<smem>>, %arg2: memref<32xi32, #tpu.memory_space<smem>>, %arg3: memref<32xi32, #tpu.memory_space<smem>>, %arg4: memref<32xi32, #tpu.memory_space<smem>>, %arg5: memref<32xi32, #tpu.memory_space<smem>>, %arg6: memref<5xi32, #tpu.memory_space<smem>>) -> (i32, i32) {
    %c0_i32 = arith.constant 0 : i32
    %c0_i32_0 = arith.constant 0 : i32
    %c0_i32_1 = arith.constant 0 : i32
    return %c0_i32, %c0_i32_0 : i32, i32
  }
}

</mosaic_0001>

<sc_bundles>
// kernel: gather_offload_async_start
scs
__scs_entry_jumppad:
0x0: {  	(pc) =	sbr.rel $0x88, $3  }
0x1: {  	(tag) =	ssettag $0x0;
	lr =	simm.s32 $0x1  }
0x2: {  	[smem:$0x3F9D] =	sst lr;
	_ =	strace $0xD0000000  }
0x3: {  	_ = 	snop  }
0x4: {  	_ = 	snop  }
0x5: {  	_ = 	snop  }
0x6: {  	_ = 	snop  }
0x7: {  	_ = 	snop  }
__scs_overlays_trampoline_lowered:
0x8: {  	[smem:$0x3FAC] =	sst s0  }
0x9: {  	[smem:$0x3FAD] =	sst s1  }
0xa: {  	[smem:$0x3FAE] =	sst s2  }
0xb: {  	[smem:$0x3FAF] =	sst s3  }
0xc: {  	[smem:$0x3FB0] =	sst s4  }
0xd: {  	[smem:$0x3FB1] =	sst s5  }
0xe: {  	[smem:$0x3FB2] =	sst s6  }
0xf: {  	[smem:$0x3FB3] =	sst s7  }
0x10: {  	[smem:$0x3FB4] =	sst s8  }
0x11: {  	[smem:$0x3FB5] =	sst s9;
	s0 =	simm.s32 @!p0 $0x0  }
0x12: {  	s1 =	sld [smem:$0x3F9B];
	s0 =	simm.s32 @p0 $0x1  }
0x13: {  	[smem:$0x3FB6] =	sst s0;
	s0 =	simm.s32 @!p1 $0x0  }
0x14: {  	s2 =	sld [smem:$0x3F9A];
	s0 =	simm.s32 @p1 $0x1  }
0x15: {  	[smem:$0x3FB7] =	sst s0;
	s0 =	simm.s32 @!p2 $0x0  }
0x16: {  	s3 =	sld [smem:$0x3FDB];
	s0 =	simm.s32 @p2 $0x1  }
0x17: {  	s4 =	simm.s32 $0x1BF5;
	[smem:$0x3FB9] =	sst s0  }
0x18: {  	s0 =	sld [smem:$0x3F9C];
	_ =	swait.ge [sflag:s4], $0x0  }
0x19: {  	s7 =	sld [smem:$0x3F9D]  }
0x1a: {  	s8 =	sadd.s32 $0xFFFFE003, lr  }
0x1b: {  	s9 =	sadd.s32 $0xFFFFFEF7, lr;
	s5 =	simm.s32 $0xFFFFFFFF;
	p2 =	slt.u32 s8, $0xFFFFF086  }
0x1c: {  	p1 =	slt.u32 s9, $0xF7A;
	s5 =	simm.s32 @!p2 $0x0  }
0x1d: {  	s5 =	simm.s32 @p1 $0x1;
	p0 =	seq.s32 s7, s2  }
0x1e: {  	s7 =	smul.u32 @!p0 $0xF7A, s2;
	p2 =	seq.s32 @!p0 s5, $0x0  }
0x1f: {  	s9 =	smul.u32 $0xF7A, s1;
	s8 =	simm.s32 @!p0 $0x1BF5;
	p2 =	por !p2, p0  }
0x20: {  	[sflag:s8] =	ssyncset.s32 @!p0 $0xFFFFF086;
	s6 =	sadd.s32 @!p0 s3, s7;
	s7 =	simm.s32 @!p0 $0x108  }
0x21: {  	s3 =	sadd.s32 s3, s9;
	s6 =	sadd.s32 @!p0 $0x88, s6;
	s7 =	simm.s32 @p2 $0x1082  }
0x22: {  	[simem:s7], [sflag:s8] =	dma.local @!p0 [hbm:s6], $0xF7A  }
0x23: {  	s9 =	sor.u32 $0xD0000000, s2;
	s6 =	simm.s32 $0x108;
	_ =	swait.ge @!p0 [sflag:s8], $0x0  }
0x24: {  	s3 =	sadd.s32 $0x88, s3;
	s6 =	simm.s32 @!p1 $0x1082;
	[sflag:s4] =	ssyncset.s32 $0xFFFFF086  }
0x25: {  	[simem:s6], [sflag:s4] =	dma.local [hbm:s3], $0xF7A  }
0x26: {  	[smem:$0x3F9D] =	sst s1;
	(tag) =	ssettag s2;
	_ =	strace s9  }
0x27: {  	s1 =	sld [smem:$0x3FAD]  }
0x28: {  	s2 =	sld [smem:$0x3FAE]  }
0x29: {  	s4 =	sld [smem:$0x3FB0]  }
0x2a: {  	p0 =	seq.s32 s5, $0x0;
	s5 =	sld [smem:$0x3FB1]  }
0x2b: {  	s6 =	sld [smem:$0x3FB2]  }
0x2c: {  	s7 =	sld [smem:$0x3FB3]  }
0x2d: {  	s3 =	simm.s32 $0x108;
	s8 =	sld [smem:$0x3FB4]  }
0x2e: {  	s3 =	simm.s32 @!p0 $0x1082;
	s9 =	sld [smem:$0x3FB5]  }
0x2f: {  	lr =	sadd.s32 s0, s3;
	s0 =	sld [smem:$0x3FAC]  }
0x30: {  	s3 =	sld [smem:$0x3FAF]  }
0x31: {  	[smem:$0x3FB8] =	sst s10  }
0x32: {  	s10 =	sld [smem:$0x3FB6];
	_ =	sdelay $0x3  }
0x33: {  	p0 =	seq.s32 s10, $0x1;
	s10 =	sld [smem:$0x3FB8];
	_ =	sdelay $0x3  }
0x34: {  	[smem:$0x3FB8] =	sst s10  }
0x35: {  	s10 =	sld [smem:$0x3FB7];
	_ =	sdelay $0x3  }
0x36: {  	p1 =	seq.s32 s10, $0x1;
	s10 =	sld [smem:$0x3FB8];
	_ =	sdelay $0x3  }
0x37: {  	[smem:$0x3FB8] =	sst s10  }
0x38: {  	s10 =	sld [smem:$0x3FB9]  }
0x39: {  	_ = 	snop;
	(pc) =	sbr.ind lr, $3  }
0x3a: {  	_ = 	snop  }
0x3b: {  	_ = 	snop  }
0x3c: {  	p2 =	seq.s32 s10, $0x1;
	s10 =	sld [smem:$0x3FB8]  }
0x3d: {  	_ =	shalt  }
0x3e: {  	_ =	shalt  }
0x3f: {  	_ =	shalt  }
0x40: {  	_ =	shalt  }
0x41: {  	_ =	shalt  }
0x42: {  	_ =	shalt  }
0x43: {  	_ =	shalt  }
0x44: {  	_ =	shalt  }
0x45: {  	_ =	shalt  }
0x46: {  	_ =	shalt  }
0x47: {  	_ =	shalt  }
0x48: {  	_ =	shalt  }
0x49: {  	_ =	shalt  }
0x4a: {  	_ =	shalt  }
0x4b: {  	_ =	shalt  }
0x4c: {  	_ =	shalt  }
0x4d: {  	_ =	shalt  }
0x4e: {  	_ =	shalt  }
0x4f: {  	_ =	shalt  }
0x50: {  	_ =	shalt  }
0x51: {  	_ =	shalt  }
0x52: {  	_ =	shalt  }
0x53: {  	_ =	shalt  }
0x54: {  	_ =	shalt  }
0x55: {  	_ =	shalt  }
0x56: {  	_ =	shalt  }
0x57: {  	_ =	shalt  }
0x58: {  	_ =	shalt  }
0x59: {  	_ =	shalt  }
0x5a: {  	_ =	shalt  }
0x5b: {  	_ =	shalt  }
0x5c: {  	_ =	shalt  }
0x5d: {  	_ =	shalt  }
0x5e: {  	_ =	shalt  }
0x5f: {  	_ =	shalt  }
0x60: {  	_ =	shalt  }
0x61: {  	_ =	shalt  }
0x62: {  	_ =	shalt  }
0x63: {  	_ =	shalt  }
0x64: {  	_ =	shalt  }
0x65: {  	_ =	shalt  }
0x66: {  	_ =	shalt  }
0x67: {  	_ =	shalt  }
0x68: {  	_ =	shalt  }
0x69: {  	_ =	shalt  }
0x6a: {  	_ =	shalt  }
0x6b: {  	_ =	shalt  }
0x6c: {  	_ =	shalt  }
0x6d: {  	_ =	shalt  }
0x6e: {  	_ =	shalt  }
0x6f: {  	_ =	shalt  }
0x70: {  	_ =	shalt  }
0x71: {  	_ =	shalt  }
0x72: {  	_ =	shalt  }
0x73: {  	_ =	shalt  }
0x74: {  	_ =	shalt  }
0x75: {  	_ =	shalt  }
0x76: {  	_ =	shalt  }
0x77: {  	_ =	shalt  }
0x78: {  	_ =	shalt  }
0x79: {  	_ =	shalt  }
0x7a: {  	_ =	shalt  }
0x7b: {  	_ =	shalt  }
0x7c: {  	_ =	shalt  }
0x7d: {  	_ =	shalt  }
0x7e: {  	_ =	shalt  }
0x7f: {  	_ =	shalt  }
0x80: {  	_ =	shalt  }
0x81: {  	_ =	shalt  }
0x82: {  	_ =	shalt  }
0x83: {  	_ =	shalt  }
0x84: {  	_ =	shalt  }
0x85: {  	_ =	shalt  }
0x86: {  	_ =	shalt  }
0x87: {  	_ =	shalt  }
.Lfunc_end0:
.L_simem_size_0:
called_computation_lowered:
.L_overlay_start_0:
0x88: {  	s2 =	sld [smem:$0x3FD9]  }
0x89: {  	s3 =	sld [smem:$0x3FFE];
	_ =	sdelay $0x1  }
0x8a: {  	s1 =	srdreg.scid  }
0x8b: {  	s0 =	sand.u32 $0x1, s1  }
0x8c: {  	s16 =	sshll.u32 s0, $0xA;
	s2 =	sadd.s32 s3, s2  }
0x8d: {  	s2 =	sadd.s32 s2, s16  }
0x8e: {  	[smem:$0x3FC4] =	sst s2  }
0x8f: {  	_ = 	snop  }
0x90: {  	(tm) =	ssettm $0x1  }
0x91: {  	s17 =	sld [smem:$0x3FFB];
	_ =	sdelay $0x3  }
0x92: {  	_ =	strace s17  }
0x93: {  	s2 =	sld [smem:$0x3FFC];
	_ =	sdelay $0x3  }
0x94: {  	_ =	strace s2  }
0x95: {  	s2 =	sld [smem:$0x3FFD];
	_ =	sdelay $0x3  }
0x96: {  	_ =	strace s2  }
0x97: {  	_ =	strace $0x8FFFFFFF  }
0x98: {  	s18 =	sld [smem:$0x3FDB];
	_ =	sdelay $0x1  }
0x99: {  	s19 =	simm.s32 $_scs_section_size  }
0x9a: {  	s4 =	simm.s32 $_size__tile_overlayer_lowered;
	s5 =	simm.s32 $_tile_overlayer_lowered  }
0x9b: {  	s22 =	simm.s32 $0x1BFF;
	s21 =	sshll.u32 s5, $0x1;
	s2 =	sadd.s32 s19, s18  }
0x9c: {  	s6 =	simm.s32 $0x0;
	s20 =	sshll.u32 s4, $0x1;
	s4 =	sadd.s32 s21, s2  }
0x9d: {  	[timem:s6], [sflag:s22] =	dma.local [hbm:s4], s20  }
0x9e: {  	_ =	swait.ge [sflag:s22], s20  }
0x9f: {  	s3 =	ssub.s32 $0x0, s20;
	[sflag:s22] =	ssyncset.done $0x0  }
0xa0: {  	[sflag:s22] =	ssyncadd.s32 s3;
	_ =	sdelay $0x1  }
0xa1: {  	s23 =	simm.s32 $0x1B8B  }
0xa2: {  	_ =	swait.ge [sflag:s23], $0x1  }
0xa3: {  	[sflag:s23] =	ssyncset.done $0x0  }
0xa4: {  	s25 =	simm.s32 $0x1B8E;
	s24 =	sld [smem:$0x3FFE];
	[sflag:s23] =	ssyncadd.s32 $0xFFFFFFFF  }
0xa5: {  	s26 =	simm.s32 $execute0_lowered;
	[smem:$0x3FD2] =	sst s25  }
0xa6: {  	s4 =	sshll.u32 s26, $0x1;
	_ =	strace $0x80000049;
	[dreg:$0x1] =	wrdreg $0xFFFFFFFF  }
0xa7: {  	s28 =	simm.s32 $_size_execute0_lowered;
	s2 =	sadd.s32 s2, s4;
	[dreg:$0x0] =	wrdreg $0x0  }
0xa8: {  	s4 =	sshll.u32 s28, $0x1;
	[dreg:$0x2] =	wrdreg s2  }
0xa9: {  	[dreg:$0x3] =	wrdreg s4  }
0xaa: {  	[dreg:$0x4] =	wrdreg $0xC0  }
0xab: {  	_ =	task [dreg:s6], $0x5FFFF  }
0xac: {  	[dreg:$0x1] =	wrdreg $0xFFFFFFFF  }
0xad: {  	[dreg:$0x0] =	wrdreg $0x60  }
0xae: {  	[dreg:$0x2] =	wrdreg s24  }
0xaf: {  	[dreg:$0x3] =	wrdreg $0x9  }
0xb0: {  	_ =	task.clear_ibuf [dreg:s6], $0x4FFFF;
	_ =	strace $0x90000049  }
0xb1: {  	s29 =	simm.s32 $0x9;
	_ =	strace $0x8000004B  }
0xb2: {  	_ =	swait.ge [sflag:s29], $0x1  }
0xb3: {  	[sflag:s29] =	ssyncadd.s32 $0xFFFFFFFF  }
0xb4: {  	_ =	strace $0x9000004B  }
0xb5: {  	_ =	sfence  }
0xb6: {  	s30 =	sld [smem:$0x0];
	_ =	sdelay $0x2  }
0xb7: {  	s31 =	sshll.u32 s1, $0xD;
	s1 =	sshrl.u32 s1, $0x2  }
0xb8: {  	s3 =	sand.u32 $0x4000, s31;
	s1 =	sadd.s32 s1, s30  }
0xb9: {  	s0 =	sor.u32 s3, s0;
	s1 =	sshll.u32 s1, $0x11  }
0xba: {  	s0 =	sor.u32 s1, s0  }
0xbb: {  	s0 =	sadd.s32 $0x8F2B, s0  }
0xbc: {  	[sflag:s0] =	ssyncadd.remote.s32 $0x1  }
0xbd: {  	_ =	sfence.sel $0xFFFF  }
0xbe: {  	[dreg:$0x0] =	wrdreg $0xFFFFFFFF;
	(pc) =	sbr.abs _section_cstart, $3  }
0xbf: {  	[dreg:$0x1] =	wrdreg $0xFFFFFFFF  }
0xc0: {  	_ =	task.clear_ibuf [dreg:s6], $0x2FFFF;
	_ =	strace $0x9FFFFFFF  }
0xc1: {  	(tm) =	ssettm $0x7FFFFFFF  }
tec
execute0_lowered:
.L_overlay_start_1:
0x0: {  	(tag) =	ssettag $0x1  }
0x1: {  	s0 =	srdreg.scid;
	s5 =	rddreg [dreg:$0x0]  }
0x2: {  	s1 =	stileid.u32;
	s6 =	simm.s32 $0x1;
	s9 =	simm.s32 $0x1  }
0x3: {  	s10 =	simm.s32 $0x3;
	s13 =	simm.s32 $0x0;
	s2 =	sshll.u32 s0, $0x6  }
0x4: {  	s12 =	simm.s32 $0x0;
	s3 =	sshll.u32 s1, $0x7;
	s2 =	sand.u32 $0x40, s2  }
0x5: {  	s0 =	rddreg [dreg:$0x1];
	_ =	strace $0x8000004A;
	s2 =	sor.u32 s3, s2  }
0x6: {  	s4 =	sadd.s32 $0x1E00, s5;
	[sflag:s6] =	ssyncpa.u1 $0x0;
	s8 =	ssub.s32 $0xA00, s2  }
.Ltmp0:
0x7: {  	s3 =	sadd.s32 $0x1600, s5;
	s7 =	sand.u32 $0x7C0, s8;
	(pc) =	sbr.rel .LBB2_1-.Ltmp0, $4  }
0x8: {  	s5 =	sadd.s32 $0x2C00, s5;
	s11 =	smov.u32 s2;
	p0 =	sne.s32 s7, $0x0  }
0x9: {  	s8 =	sshrl.u32 s8, $0xB;
	s7 =	simm.s32 $0x2;
	s9 =	simm.s32 @!p0 $0x0  }
0xa: {  	[sflag:s7] =	ssyncpa.u1 $0x0;
	p0 =	por $0x0, $0x0;
	s8 =	sadd.s32 s9, s8  }
0xb: {  	vm0 =	vmmov $0xffff;
	[sflag:s10] =	ssyncpa.u1 $0x0;
	s10 =	simm.s32 $0x0;
	s9 =	sadd.s32 $0x1, s8  }
.LBB2_4:
0xc: {  	v2 =	vnsel vm1, $0x0, v2  }
0xd: {  	vm1 =	vgt.s32 v0, $0x0;
	v2 =	vmin.u32 v2, $0x7FF  }
0xe: {  	v0 =	vnsel vm1, $0x0, v0  }
0xf: {  	v0 =	vmin.u32 v0, $0x7FF  }
0x10: {  	[tilespmem:s15], [sflag:$0x1] =	stream.indirect_vreg.gather [hbm4b:s3+s10], $0x1, v1, vm0, $0x4038;
	[tilespmem:$0x100] =	vst v63  }
0x11: {  	(ifvalue) =	ssetifvalue $0x7FFFFFFF  }
0x12: {  	[tilespmem:s16], [sflag:$0x1] =	stream.indirect_vreg.gather [hbm4b:s3+s10], $0x1, v2, vm0, $0x4038;
	[tilespmem:$0x100] =	vst v63  }
0x13: {  	s29 =	sadd.s32 $0x10, s16;
	(ifvalue) =	ssetifvalue $0x7FFFFFFF  }
0x14: {  	[tilespmem:s29], [sflag:$0x1] =	stream.indirect_vreg.gather [hbm4b:s3+s10], $0x1, v0, vm0, $0x4038;
	[tilespmem:$0x100] =	vst v63  }
0x15: {  	_ =	swait.ge [sflag:s6], $0x40  }
0x16: {  	s30 =	sshrl.u32 s13, $0x3;
	[sflag:s6] =	ssyncset.done $0x0  }
0x17: {  	s31 =	sand.u32 $0x7, s13;
	s15 =	sadd.s32 s5, s30;
	[sflag:s6] =	ssyncadd.s32 $0xFFFFFFC0  }
0x18: {  	[hbm4b:s15+s31] =	stream.linear.scatter [tilespmem:s14], [sflag:$0x3], $0x40, $0x38;
	[tilespmem:$0x100] =	vst v63  }
.LBB2_5:
0x19: {  	s15 =	sadd.s32 $0x800, s11  }
0x1a: {  	p2 =	sgt.s32 s15, $0x9FF  }
0x1b: {  	s15 =	smov.u32 @p2 s2;
	p2 =	sne.s32 s12, s9  }
.Ltmp1:
0x1c: {  	p1 =	slt.u32 s12, $0x2;
	(pc) =	sbr.rel @!p2 .LBB2_6-.Ltmp1, $4  }
0x1d: {  	s14 =	simm.s32 @!p1 $0x3  }
0x1e: {  	s16 =	sadd.s32 $0x1, s12;
	_ =	swait.ge @!p1 [sflag:s14], $0x40  }
0x1f: {  	s13 =	smov.u32 s11;
	p0 =	por !p0, !p0;
	[sflag:s14] =	ssyncset.done @!p1 $0x0  }
0x20: {  	s12 =	smov.u32 s16;
	s11 =	smov.u32 s15;
	[sflag:s14] =	ssyncadd.s32 @!p1 $0xFFFFFFC0  }
.LBB2_1:
0x21: {  	p1 =	sge.u32 s12, s8  }
0x22: {  	s14 =	sxor.u32 @!p1 $0xFFFFFFFF, s12  }
0x23: {  	s31 =	sadd.s32 $0xFFFFFFFF, s12;
	s15 =	sshrl.u32 @!p1 s11, $0x3;
	s14 =	sshll.u32 @!p1 s14, $0x6  }
0x24: {  	s16 =	sand.u32 @!p1 $0x7, s11;
	s15 =	sadd.s32 @!p1 s4, s15;
	s14 =	sand.u32 @!p1 $0x40, s14  }
0x25: {  	[tilespmem:s14], [sflag:$0x2] =	stream.linear.gather @!p1 [hbm4b:s15+s16], $0x40, $0x38;
	[tilespmem:$0x100] =	vst v63  }
0x26: {  	p1 =	sge.u32 s31, s8  }
.Ltmp2:
0x27: {  	_ = 	snop;
	(pc) =	sbr.rel @p1 .LBB2_5-.Ltmp2, $1  }
0x28: {  	_ =	sdelay $0x3  }
0x29: {  	s14 =	simm.s32 $0x1  }
0x2a: {  	_ =	swait.ge [sflag:s7], $0x40;
	s14 =	simm.s32 @!p0 $0x0  }
0x2b: {  	[sflag:s7] =	ssyncset.done $0x0;
	s14 =	sshll.u32 s14, $0x6  }
0x2c: {  	[sflag:s7] =	ssyncadd.s32 $0xFFFFFFC0;
	(ifvalue) =	ssetifvalue $0x7FFFFFFF;
	v0 =	vld.msk [tilespmem:s14+$0x0 ss:$0x1], $0xffff;
	_ =	sdelay $0x4  }
0x2d: {  	s15 =	sadd.s32 $0x10, s14;
	vm1 =	vgt.s32 v0, $0x0  }
0x2e: {  	v2 =	vld.msk [tilespmem:s15+$0x0 ss:$0x1], $0xffff;
	v1 =	vnsel vm1, $0x0, v0  }
0x2f: {  	v1 =	vmin.u32 v1, $0x7FF;
	_ =	sdelay $0x1  }
0x30: {  	s16 =	sshll.u32 s12, $0x6;
	s18 =	simm.s32 $0x20  }
0x31: {  	s16 =	sand.u32 $0x40, s16;
	s17 =	sadd.s32 $0x10, s15;
	s15 =	sor.u32 $0x80, s14  }
0x32: {  	s14 =	sor.u32 $0x80, s16;
	s16 =	sadd.s32 $0x10, s15;
	v0 =	vld.msk [tilespmem:s17+$0x0 ss:$0x1], $0xffff;
	vm1 =	vgt.s32 v2, $0x0;
	(ifvalue) =	ssetifvalue $0x7FFFFFFF  }
.LBB2_3:
0x33: {  	[tilespmem:s15], [sflag:$0x1] =	stream.indirect_vreg.gather [hbm4b:s3+s10], $0x1, v1, vm0, $0x4038;
	[tilespmem:$0x100] =	vst v63  }
0x34: {  	s18 =	sadd.s32 $0x10, s18  }
0x35: {  	v2 =	vnsel vm1, $0x0, v2;
	p1 =	slt.u32 s18, $0x30  }
.Ltmp3:
0x36: {  	s15 =	smov.u32 s16;
	v1 =	vmin.u32 v2, $0x7FF;
	(pc) =	sbr.rel @p1 .LBB2_3-.Ltmp3, $3  }
0x37: {  	_ =	sdelay $0x1  }
0x38: {  	s17 =	sadd.s32 $0x10, s17  }
0x39: {  	vm1 =	vgt.s32 v0, $0x0;
	s16 =	sadd.s32 $0x10, s16;
	v2 =	vmov v0;
	(ifvalue) =	ssetifvalue $0x7FFFFFFF;
	v0 =	vld.msk [tilespmem:s17+$0x0 ss:$0x1], $0xffff  }
.Ltmp4:
0x3a: {  	_ = 	snop;
	(pc) =	sbr.rel .LBB2_4-.Ltmp4, $1  }
0x3b: {  	_ =	sdelay $0x3  }
.LBB2_6:
0x3c: {  	_ =	sfence.sel $0x180000  }
0x3d: {  	s2 =	simm.s32 $0x2;
	[bflag:$0x0] =	sbarrier.arrive $0xFFFF  }
0x3e: {  	s30 =	simm.s32 $0x3;
	[sflag:s2] =	ssyncpa.u1 $0x1  }
0x3f: {  	s31 =	simm.s32 $0x1;
	[sflag:s30] =	ssyncpa.u1 $0x1  }
0x40: {  	[sflag:s31] =	ssyncpa.u1 $0x1  }
0x41: {  	p0 =	sne.s32 s1, $0x0;
	_ =	strace $0x9000004A  }
0x42: {  	s0 =	sadd.s32 @!p0 $0x100000, s0;
	[bflag:$0x2] =	sbarrier.arrive $0xFFFF  }
0x43: {  	[sflag:s0] =	ssyncadd.tile.s32 @!p0 $0x1;
	_ =	shalt  }
.Lfunc_end2:
_tile_overlayer_lowered:
.L_overlay_start_2:
0x44: {  	(tag) =	ssettag $0x2  }
0x45: {  	s0 =	rddreg [dreg:$0x0];
	s2 =	stileid.u32  }
0x46: {  	s1 =	rddreg [dreg:$0x1];
	p0 =	sne.s32 s2, $0x0  }
0x47: {  	s3 =	rddreg [dreg:$0x2];
	[bflag:$0x3] =	sbarrier.arrive $0xFFFF;
	s2 =	simm.s32 @!p0 $0x1C01  }
0x48: {  	[timem:s3], [sflag:s2] =	dma.local @!p0 [hbm:s0], s1  }
0x49: {  	s0 =	simm.s32 @!p0 $0x1  }
0x4a: {  	_ =	swait.ge @!p0 [sflag:s0], s1  }
0x4b: {  	s1 =	ssub.s32 @!p0 $0x0, s1;
	[sflag:s0] =	ssyncset.done @!p0 $0x0  }
0x4c: {  	[sflag:s0] =	ssyncadd.s32 @!p0 s1  }
0x4d: {  	[bflag:$0x3] =	sbarrier.arrive $0xFFFF  }
0x4e: {  	_ =	shalt  }

// kernel: kernel.6.cloned.1.call-start
scs
__scs_entry_jumppad:
0x0: {  	(pc) =	sbr.rel $0x88, $3  }
0x1: {  	(tag) =	ssettag $0x0;
	lr =	simm.s32 $0x1  }
0x2: {  	[smem:$0x3F9D] =	sst lr;
	_ =	strace $0xD0000000  }
0x3: {  	_ = 	snop  }
0x4: {  	_ = 	snop  }
0x5: {  	_ = 	snop  }
0x6: {  	_ = 	snop  }
0x7: {  	_ = 	snop  }
__scs_overlays_trampoline_lowered:
0x8: {  	[smem:$0x3FAC] =	sst s0  }
0x9: {  	[smem:$0x3FAD] =	sst s1  }
0xa: {  	[smem:$0x3FAE] =	sst s2  }
0xb: {  	[smem:$0x3FAF] =	sst s3  }
0xc: {  	[smem:$0x3FB0] =	sst s4  }
0xd: {  	[smem:$0x3FB1] =	sst s5  }
0xe: {  	[smem:$0x3FB2] =	sst s6  }
0xf: {  	[smem:$0x3FB3] =	sst s7  }
0x10: {  	[smem:$0x3FB4] =	sst s8  }
0x11: {  	[smem:$0x3FB5] =	sst s9;
	s0 =	simm.s32 @!p0 $0x0  }
0x12: {  	s1 =	sld [smem:$0x3F9B];
	s0 =	simm.s32 @p0 $0x1  }
0x13: {  	[smem:$0x3FB6] =	sst s0;
	s0 =	simm.s32 @!p1 $0x0  }
0x14: {  	s2 =	sld [smem:$0x3F9A];
	s0 =	simm.s32 @p1 $0x1  }
0x15: {  	[smem:$0x3FB7] =	sst s0;
	s0 =	simm.s32 @!p2 $0x0  }
0x16: {  	s3 =	sld [smem:$0x3FDB];
	s0 =	simm.s32 @p2 $0x1  }
0x17: {  	s4 =	simm.s32 $0x1BF5;
	[smem:$0x3FB9] =	sst s0  }
0x18: {  	s0 =	sld [smem:$0x3F9C];
	_ =	swait.ge [sflag:s4], $0x0  }
0x19: {  	s7 =	sld [smem:$0x3F9D]  }
0x1a: {  	s8 =	sadd.s32 $0xFFFFE003, lr  }
0x1b: {  	s9 =	sadd.s32 $0xFFFFFEF7, lr;
	s5 =	simm.s32 $0xFFFFFFFF;
	p2 =	slt.u32 s8, $0xFFFFF086  }
0x1c: {  	p1 =	slt.u32 s9, $0xF7A;
	s5 =	simm.s32 @!p2 $0x0  }
0x1d: {  	s5 =	simm.s32 @p1 $0x1;
	p0 =	seq.s32 s7, s2  }
0x1e: {  	s7 =	smul.u32 @!p0 $0xF7A, s2;
	p2 =	seq.s32 @!p0 s5, $0x0  }
0x1f: {  	s9 =	smul.u32 $0xF7A, s1;
	s8 =	simm.s32 @!p0 $0x1BF5;
	p2 =	por !p2, p0  }
0x20: {  	[sflag:s8] =	ssyncset.s32 @!p0 $0xFFFFF086;
	s6 =	sadd.s32 @!p0 s3, s7;
	s7 =	simm.s32 @!p0 $0x108  }
0x21: {  	s3 =	sadd.s32 s3, s9;
	s6 =	sadd.s32 @!p0 $0x88, s6;
	s7 =	simm.s32 @p2 $0x1082  }
0x22: {  	[simem:s7], [sflag:s8] =	dma.local @!p0 [hbm:s6], $0xF7A  }
0x23: {  	s9 =	sor.u32 $0xD0000000, s2;
	s6 =	simm.s32 $0x108;
	_ =	swait.ge @!p0 [sflag:s8], $0x0  }
0x24: {  	s3 =	sadd.s32 $0x88, s3;
	s6 =	simm.s32 @!p1 $0x1082;
	[sflag:s4] =	ssyncset.s32 $0xFFFFF086  }
0x25: {  	[simem:s6], [sflag:s4] =	dma.local [hbm:s3], $0xF7A  }
0x26: {  	[smem:$0x3F9D] =	sst s1;
	(tag) =	ssettag s2;
	_ =	strace s9  }
0x27: {  	s1 =	sld [smem:$0x3FAD]  }
0x28: {  	s2 =	sld [smem:$0x3FAE]  }
0x29: {  	s4 =	sld [smem:$0x3FB0]  }
0x2a: {  	p0 =	seq.s32 s5, $0x0;
	s5 =	sld [smem:$0x3FB1]  }
0x2b: {  	s6 =	sld [smem:$0x3FB2]  }
0x2c: {  	s7 =	sld [smem:$0x3FB3]  }
0x2d: {  	s3 =	simm.s32 $0x108;
	s8 =	sld [smem:$0x3FB4]  }
0x2e: {  	s3 =	simm.s32 @!p0 $0x1082;
	s9 =	sld [smem:$0x3FB5]  }
0x2f: {  	lr =	sadd.s32 s0, s3;
	s0 =	sld [smem:$0x3FAC]  }
0x30: {  	s3 =	sld [smem:$0x3FAF]  }
0x31: {  	[smem:$0x3FB8] =	sst s10  }
0x32: {  	s10 =	sld [smem:$0x3FB6];
	_ =	sdelay $0x3  }
0x33: {  	p0 =	seq.s32 s10, $0x1;
	s10 =	sld [smem:$0x3FB8];
	_ =	sdelay $0x3  }
0x34: {  	[smem:$0x3FB8] =	sst s10  }
0x35: {  	s10 =	sld [smem:$0x3FB7];
	_ =	sdelay $0x3  }
0x36: {  	p1 =	seq.s32 s10, $0x1;
	s10 =	sld [smem:$0x3FB8];
	_ =	sdelay $0x3  }
0x37: {  	[smem:$0x3FB8] =	sst s10  }
0x38: {  	s10 =	sld [smem:$0x3FB9]  }
0x39: {  	_ = 	snop;
	(pc) =	sbr.ind lr, $3  }
0x3a: {  	_ = 	snop  }
0x3b: {  	_ = 	snop  }
0x3c: {  	p2 =	seq.s32 s10, $0x1;
	s10 =	sld [smem:$0x3FB8]  }
0x3d: {  	_ =	shalt  }
0x3e: {  	_ =	shalt  }
0x3f: {  	_ =	shalt  }
0x40: {  	_ =	shalt  }
0x41: {  	_ =	shalt  }
0x42: {  	_ =	shalt  }
0x43: {  	_ =	shalt  }
0x44: {  	_ =	shalt  }
0x45: {  	_ =	shalt  }
0x46: {  	_ =	shalt  }
0x47: {  	_ =	shalt  }
0x48: {  	_ =	shalt  }
0x49: {  	_ =	shalt  }
0x4a: {  	_ =	shalt  }
0x4b: {  	_ =	shalt  }
0x4c: {  	_ =	shalt  }
0x4d: {  	_ =	shalt  }
0x4e: {  	_ =	shalt  }
0x4f: {  	_ =	shalt  }
0x50: {  	_ =	shalt  }
0x51: {  	_ =	shalt  }
0x52: {  	_ =	shalt  }
0x53: {  	_ =	shalt  }
0x54: {  	_ =	shalt  }
0x55: {  	_ =	shalt  }
0x56: {  	_ =	shalt  }
0x57: {  	_ =	shalt  }
0x58: {  	_ =	shalt  }
0x59: {  	_ =	shalt  }
0x5a: {  	_ =	shalt  }
0x5b: {  	_ =	shalt  }
0x5c: {  	_ =	shalt  }
0x5d: {  	_ =	shalt  }
0x5e: {  	_ =	shalt  }
0x5f: {  	_ =	shalt  }
0x60: {  	_ =	shalt  }
0x61: {  	_ =	shalt  }
0x62: {  	_ =	shalt  }
0x63: {  	_ =	shalt  }
0x64: {  	_ =	shalt  }
0x65: {  	_ =	shalt  }
0x66: {  	_ =	shalt  }
0x67: {  	_ =	shalt  }
0x68: {  	_ =	shalt  }
0x69: {  	_ =	shalt  }
0x6a: {  	_ =	shalt  }
0x6b: {  	_ =	shalt  }
0x6c: {  	_ =	shalt  }
0x6d: {  	_ =	shalt  }
0x6e: {  	_ =	shalt  }
0x6f: {  	_ =	shalt  }
0x70: {  	_ =	shalt  }
0x71: {  	_ =	shalt  }
0x72: {  	_ =	shalt  }
0x73: {  	_ =	shalt  }
0x74: {  	_ =	shalt  }
0x75: {  	_ =	shalt  }
0x76: {  	_ =	shalt  }
0x77: {  	_ =	shalt  }
0x78: {  	_ =	shalt  }
0x79: {  	_ =	shalt  }
0x7a: {  	_ =	shalt  }
0x7b: {  	_ =	shalt  }
0x7c: {  	_ =	shalt  }
0x7d: {  	_ =	shalt  }
0x7e: {  	_ =	shalt  }
0x7f: {  	_ =	shalt  }
0x80: {  	_ =	shalt  }
0x81: {  	_ =	shalt  }
0x82: {  	_ =	shalt  }
0x83: {  	_ =	shalt  }
0x84: {  	_ =	shalt  }
0x85: {  	_ =	shalt  }
0x86: {  	_ =	shalt  }
0x87: {  	_ =	shalt  }
.Lfunc_end0:
.L_simem_size_0:
called_computation.1_lowered:
.L_overlay_start_0:
0x88: {  	s2 =	sld [smem:$0x3FD9]  }
0x89: {  	s3 =	sld [smem:$0x3FFE];
	_ =	sdelay $0x1  }
0x8a: {  	s1 =	srdreg.scid  }
0x8b: {  	s0 =	sand.u32 $0x1, s1  }
0x8c: {  	s17 =	sshll.u32 s0, $0xA;
	s2 =	sadd.s32 s3, s2  }
0x8d: {  	s2 =	sadd.s32 s2, s17  }
0x8e: {  	[smem:$0x3FC4] =	sst s2  }
0x8f: {  	_ = 	snop  }
0x90: {  	s2 =	sld [smem:$0x3FC9]  }
0x91: {  	s18 =	sld [smem:$0x3FD0];
	(tm) =	ssettm $0x1  }
0x92: {  	s4 =	sld [smem:$0x3FFB];
	_ =	sdelay $0x3  }
0x93: {  	_ =	strace s4  }
0x94: {  	s4 =	sld [smem:$0x3FFC];
	_ =	sdelay $0x3  }
0x95: {  	_ =	strace s4  }
0x96: {  	s4 =	sld [smem:$0x3FFD];
	_ =	sdelay $0x3  }
0x97: {  	_ =	strace s4  }
0x98: {  	_ =	strace $0x8FFFFFFF  }
0x99: {  	s19 =	sld [smem:$0x3FDB];
	_ =	sdelay $0x1  }
0x9a: {  	s5 =	simm.s32 $_scs_section_size  }
0x9b: {  	s6 =	simm.s32 $_size__tile_overlayer_lowered;
	s7 =	simm.s32 $_tile_overlayer_lowered  }
0x9c: {  	s22 =	simm.s32 $0x1BFF;
	s21 =	sshll.u32 s7, $0x1;
	s4 =	sadd.s32 s5, s19  }
0x9d: {  	s8 =	simm.s32 $0x0;
	s20 =	sshll.u32 s6, $0x1;
	s6 =	sadd.s32 s21, s4  }
0x9e: {  	[timem:s8], [sflag:s22] =	dma.local [hbm:s6], s20  }
0x9f: {  	_ =	swait.ge [sflag:s22], s20  }
0xa0: {  	s5 =	ssub.s32 $0x0, s20;
	[sflag:s22] =	ssyncset.done $0x0  }
0xa1: {  	[sflag:s22] =	ssyncadd.s32 s5;
	_ =	sdelay $0x1  }
0xa2: {  	s23 =	simm.s32 $0x1B8B  }
0xa3: {  	_ =	swait.ge [sflag:s23], $0x1  }
0xa4: {  	[sflag:s23] =	ssyncset.done $0x0  }
0xa5: {  	s25 =	simm.s32 $0x1B8E;
	s24 =	sld [smem:$0x3FFE];
	[sflag:s23] =	ssyncadd.s32 $0xFFFFFFFF  }
0xa6: {  	s26 =	simm.s32 $execute0_lowered;
	[smem:$0x3FD2] =	sst s25  }
0xa7: {  	s6 =	sshll.u32 s26, $0x1;
	_ =	strace $0x80000046;
	[dreg:$0x1] =	wrdreg $0xFFFFFFFF  }
0xa8: {  	s28 =	simm.s32 $_size_execute0_lowered;
	s4 =	sadd.s32 s4, s6;
	[dreg:$0x0] =	wrdreg $0x0  }
0xa9: {  	s6 =	sshll.u32 s28, $0x1;
	[dreg:$0x2] =	wrdreg s4  }
0xaa: {  	[dreg:$0x3] =	wrdreg s6  }
0xab: {  	[dreg:$0x4] =	wrdreg $0xC0  }
0xac: {  	_ =	task [dreg:s8], $0x5FFFF  }
0xad: {  	[dreg:$0x1] =	wrdreg $0xFFFFFFFF  }
0xae: {  	[dreg:$0x0] =	wrdreg $0x60  }
0xaf: {  	[dreg:$0x2] =	wrdreg s24  }
0xb0: {  	[dreg:$0x3] =	wrdreg s2  }
0xb1: {  	[dreg:$0x4] =	wrdreg s18  }
0xb2: {  	[dreg:$0x5] =	wrdreg $0x9  }
0xb3: {  	_ =	task.clear_ibuf [dreg:s8], $0x6FFFF;
	_ =	strace $0x90000046  }
0xb4: {  	s29 =	simm.s32 $0x9;
	_ =	strace $0x80000048  }
0xb5: {  	_ =	swait.ge [sflag:s29], $0x1  }
0xb6: {  	[sflag:s29] =	ssyncadd.s32 $0xFFFFFFFF  }
0xb7: {  	_ =	strace $0x90000048  }
0xb8: {  	_ =	sfence  }
0xb9: {  	s30 =	sld [smem:$0x0];
	_ =	sdelay $0x2  }
0xba: {  	s31 =	sshll.u32 s1, $0xD;
	s1 =	sshrl.u32 s1, $0x2  }
0xbb: {  	s3 =	sand.u32 $0x4000, s31;
	s1 =	sadd.s32 s1, s30  }
0xbc: {  	s0 =	sor.u32 s3, s0;
	s1 =	sshll.u32 s1, $0x11  }
0xbd: {  	s0 =	sor.u32 s1, s0  }
0xbe: {  	s0 =	sadd.s32 $0x8F2B, s0  }
0xbf: {  	[sflag:s0] =	ssyncadd.remote.s32 $0x1  }
0xc0: {  	_ =	sfence.sel $0xFFFF  }
0xc1: {  	[dreg:$0x0] =	wrdreg $0xFFFFFFFF;
	(pc) =	sbr.abs _section_cstart, $3  }
0xc2: {  	[dreg:$0x1] =	wrdreg $0xFFFFFFFF  }
0xc3: {  	_ =	task.clear_ibuf [dreg:s8], $0x2FFFF;
	_ =	strace $0x9FFFFFFF  }
0xc4: {  	(tm) =	ssettm $0x7FFFFFFF  }
0xc5: {  	_ =	shalt  }
tec
execute0_lowered:
.L_overlay_start_1:
0x0: {  	(tag) =	ssettag $0x1  }
0x1: {  	s0 =	rddreg [dreg:$0x0]  }
0x2: {  	s10 =	rddreg [dreg:$0x1]  }
0x3: {  	s2 =	rddreg [dreg:$0x2];
	s3 =	simm.s32 $0x0;
	s4 =	srdreg.scid  }
0x4: {  	s5 =	stileid.u32;
	s28 =	simm.s32 $0x1800;
	s31 =	simm.s32 $0x2080  }
0x5: {  	s30 =	simm.s32 $0x8880;
	[smem:$0x7FF] =	sst s3;
	s4 =	sand.u32 $0x1, s4  }
0x6: {  	s5 =	sshll.u32 s5, $0x1;
	s6 =	sadd.s32 $0x1000, s0;
	s16 =	sadd.s32 $0x1200, s0  }
0x7: {  	s7 =	sadd.s32 $0x1400, s0;
	s1 =	sadd.s32 $0x100, s10;
	s11 =	sadd.s32 $0x200, s10  }
0x8: {  	s12 =	sadd.s32 $0x300, s10;
	s13 =	sadd.s32 $0x400, s10;
	s14 =	sadd.s32 $0x500, s10  }
0x9: {  	s15 =	sadd.s32 $0x600, s10;
	_ =	strace $0x80000047;
	[dreg:$0x4] =	wrdreg s6  }
0xa: {  	s5 =	sor.u32 s4, s5;
	[dreg:$0x5] =	wrdreg s16;
	s4 =	ssub.s32 $0x2, s4  }
0xb: {  	[dreg:$0x6] =	wrdreg s7;
	s16 =	simm.s32 $0x9880;
	s17 =	sshll.u32 s5, $0x3  }
0xc: {  	s18 =	sshrl.u32 s4, $0x1;
	s8 =	sshll.u32 s5, $0x6;
	s22 =	sshll.u32 s5, $0xE  }
0xd: {  	s6 =	sadd.s32 s17, s0;
	s0 =	sadd.s32 $0x1800, s0;
	[dreg:$0x11] =	wrdreg s8  }
0xe: {  	s19 =	ssub.s32 s4, s18;
	s4 =	sadd.s32 s2, s22;
	[dreg:$0x7] =	wrdreg s0  }
0xf: {  	p0 =	sne.s32 s5, $0x0;
	s21 =	sor.u32 $0x10, s8;
	[dreg:$0xa] =	wrdreg s4  }
0x10: {  	s23 =	sor.u32 $0x20, s8;
	s9 =	sor.u32 $0x30, s8;
	[dreg:$0x9] =	wrdreg s21  }
0x11: {  	s22 =	simm.s32 $0x7880;
	s20 =	sadd.s32 $0x1600, s6;
	[dreg:$0xb] =	wrdreg s23  }
0x12: {  	s24 =	sshll.u32 s21, $0x8;
	s25 =	sshll.u32 s23, $0x8;
	[dreg:$0xc] =	wrdreg s9  }
0x13: {  	s26 =	sshll.u32 s9, $0x8;
	s23 =	sadd.s32 $0x700, s10;
	s0 =	smax.u32 s19, $0x1  }
0x14: {  	s21 =	simm.s32 $0x7080;
	s10 =	simm.s32 $0x1;
	[dreg:$0x8] =	wrdreg s20  }
0x15: {  	s4 =	sadd.s32 s2, s24;
	s29 =	sadd.s32 s2, s25;
	[dreg:$0x10] =	wrdreg s0  }
0x16: {  	v0 =	vlaneseq.u32;
	s2 =	sadd.s32 s2, s26;
	s25 =	simm.s32 $0x3;
	[dreg:$0xd] =	wrdreg s4  }
0x17: {  	v1 =	vimm.s32 $0x0;
	vm0 =	vmmov $0xffff;
	v3 =	vshrl.u32 v0, $0x3;
	s20 =	simm.s32 $0x800;
	s24 =	simm.s32 $0x8080;
	[dreg:$0xe] =	wrdreg s29  }
0x18: {  	v2 =	vand.u32 $0x7, v0;
	v4 =	vor.u32 $0x8, v0;
	v3 =	vmul.u32 $0x8, v3;
	s26 =	simm.s32 $0x9080;
	[dreg:$0xf] =	wrdreg s2;
	s2 =	simm.s32 $0x0  }
.LBB2_1:
0x19: {  	s4 =	rddreg [dreg:$0x4]  }
0x1a: {  	[tilespmem:s3], [sflag:$0x3] =	stream.linear.gather [hbm4b:s4+s3], $0x800, $0x38;
	[tilespmem:$0x12100] =	vst v63  }
0x1b: {  	_ =	swait.ge [sflag:s25], $0x800  }
0x1c: {  	[sflag:s25] =	ssyncset.done $0x0  }
0x1d: {  	s19 =	rddreg [dreg:$0x5];
	[sflag:s25] =	ssyncadd.s32 $0xFFFFF800  }
0x1e: {  	[tilespmem:s20], [sflag:$0x3] =	stream.linear.gather [hbm4b:s19+s3], $0x800, $0x38;
	[tilespmem:$0x12100] =	vst v63  }
0x1f: {  	_ =	swait.ge [sflag:s25], $0x800  }
0x20: {  	[sflag:s25] =	ssyncset.done $0x0  }
0x21: {  	s19 =	simm.s32 $0x0;
	[sflag:s25] =	ssyncadd.s32 $0xFFFFF800  }
0x22: {  	v5 =	vld [tilespmem:s19+$0x0];
	_ =	sdelay $0x1  }
0x23: {  	s18 =	simm.s32 $0x10  }
0x24: {  	s29 =	simm.s32 $0x20;
	v6 =	vld [tilespmem:s18+$0x0]  }
0x25: {  	v7 =	vld [tilespmem:s29+$0x0]  }
0x26: {  	vm1 =	veq.s32 v5, $0x0  }
0x27: {  	v5 =	vsel vm1, $0x1, v1  }
0x28: {  	(xrf0) =	vadd.scan.msk.s32 $0xffff, v5  }
0x29: {  	vm1 =	veq.s32 v6, $0x0  }
0x2a: {  	v5 =	vsel vm1, $0x1, v1;
	vm1 =	veq.s32 v7, $0x0  }
0x2b: {  	(xrf0) =	vadd.scan.msk.s32 $0xffff, v5;
	v5 =	vsel vm1, $0x1, v1  }
0x2c: {  	s4 =	simm.s32 $0x30;
	(xrf0) =	vadd.scan.msk.s32 $0xffff, v5  }
0x2d: {  	v6 =	vld [tilespmem:s4+$0x0]  }
0x2e: {  	v7, _, _ =	vpop (xrf0)  }
0x2f: {  	(v2sf) =	vpush v7, $0xF;
	_ =	sdelay $0x1  }
0x30: {  	v5, _, _ =	vpop (xrf0)  }
0x31: {  	vm1 =	veq.s32 v6, $0x0;
	(v2sf) =	vpush v5, $0xF;
	v6, _, _ =	vpop (xrf0)  }
0x32: {  	(v2sf) =	vpush v6, $0xF;
	_ =	sdelay $0x4  }
0x33: {  	v8 =	vmov s3;
	s5 =	simm.s32 $0x40  }
0x34: {  	v10 =	vadd.s32 $0xFFFFFFFF, v8;
	v8 =	vld [tilespmem:s5+$0x0];
	v9 =	vsel vm1, $0x1, v1  }
0x35: {  	(xrf0) =	vadd.scan.msk.s32 $0xffff, v9;
	_ =	sdelay $0x1  }
0x36: {  	s7 =	simm.s32 $0x140;
	s6 =	simm.s32 $0x0;
	v9 =	vbroadcast v10, $0x0  }
.LBB2_2:
0x37: {  	s9 =	sshra.s32 s7, $0x2;
	p1 =	seq.s32 s7, $0x1FC0  }
.Ltmp0:
0x38: {  	s7 =	sadd.s32 $0x40, s7;
	vm1 =	veq.s32 v8, $0x0;
	v10 =	vadd.s32 v7, v9;
	s17 =	spop (v2sf);
	(pc) =	sbr.rel @!p1 .LBB2_2-.Ltmp0, $4  }
0x39: {  	v7 =	vmov v5;
	v5 =	vmov v6;
	v8 =	vld [tilespmem:s9+$0x0];
	v9 =	vsel vm1, $0x1, v1;
	[tilespmem:s19+$0x1000] =	vst v10;
	s6 =	sadd.s32 s6, s17;
	s19 =	smov.u32 s18;
	s18 =	smov.u32 s29  }
0x3a: {  	s29 =	smov.u32 s4;
	s4 =	smov.u32 s5;
	s5 =	smov.u32 s9;
	(xrf0) =	vadd.scan.msk.s32 $0xffff, v9;
	v6, _, _ =	vpop (xrf0);
	v9 =	vmov s6  }
0x3b: {  	(v2sf) =	vpush v6, $0xF;
	v9 =	vadd.s32 $0xFFFFFFFF, v9  }
0x3c: {  	v9 =	vbroadcast v9, $0x0  }
0x3d: {  	_ = 	snop  }
0x3e: {  	vm1 =	veq.s32 v8, $0x0  }
0x3f: {  	v8 =	vsel vm1, $0x1, v1;
	_ =	sdelay $0x2  }
0x40: {  	(xrf0) =	vadd.scan.msk.s32 $0xffff, v8;
	v8, _, _ =	vpop (xrf0)  }
0x41: {  	(v2sf) =	vpush v8, $0xF;
	_ =	sdelay $0x4  }
0x42: {  	v10, _, _ =	vpop (xrf0)  }
0x43: {  	(v2sf) =	vpush v10, $0xF;
	_ =	sdelay $0x5  }
0x44: {  	s7 =	spop (v2sf)  }
0x45: {  	s6 =	sadd.s32 s6, s7;
	s8 =	spop (v2sf)  }
0x46: {  	v11 =	vmov s6;
	s6 =	sadd.s32 s6, s8;
	s9 =	spop (v2sf)  }
0x47: {  	v7 =	vadd.s32 v7, v9;
	v61 =	vadd.s32 $0xFFFFFFFF, v11;
	v62 =	vmov s6;
	s6 =	sadd.s32 s6, s9;
	s17 =	spop (v2sf)  }
0x48: {  	v9 =	vbroadcast v61, $0x0;
	v11 =	vadd.s32 $0xFFFFFFFF, v62;
	v12 =	vmov s6;
	s6 =	sadd.s32 s6, s17  }
0x49: {  	v11 =	vbroadcast v11, $0x0;
	v12 =	vadd.s32 $0xFFFFFFFF, v12;
	v13 =	vmov s6  }
0x4a: {  	[tilespmem:s19+$0x1000] =	vst v7;
	v5 =	vadd.s32 v5, v9;
	v7 =	vbroadcast v12, $0x0;
	v63 =	vadd.s32 $0xFFFFFFFF, v13  }
0x4b: {  	[tilespmem:s18+$0x1000] =	vst v5;
	v5 =	vadd.s32 v6, v11;
	v6 =	vbroadcast v63, $0x0  }
0x4c: {  	[tilespmem:s29+$0x1000] =	vst v5;
	v5 =	vadd.s32 v8, v7  }
0x4d: {  	[tilespmem:s4+$0x1000] =	vst v5;
	s29 =	spop (v2sf);
	v5 =	vadd.s32 v10, v6  }
0x4e: {  	s4 =	sadd.s32 s6, s29;
	[tilespmem:s5+$0x1000] =	vst v5;
	s5 =	simm.s32 $0x1000  }
0x4f: {  	s7 =	simm.s32 $0x10;
	s6 =	simm.s32 $0x0;
	v5 =	vmov s4;
	s4 =	simm.s32 $0x0;
	v6 =	vld [tilespmem:s5+$0x0]  }
.LBB2_4:
0x50: {  	p1 =	sne.s32 s7, $0x7F0;
	v7 =	vld [tilespmem:s4+$0x0];
	_ =	sdelay $0x2  }
0x51: {  	v8 =	vor.u32 s6, v0;
	s6 =	smov.u32 s7  }
0x52: {  	v9 =	vadd.s32 v5, v8;
	v10 =	vxor.u32 $0xFFFFFFFF, v6  }
0x53: {  	vm1 =	veq.s32 v7, $0x0;
	v7 =	vadd.s32 v10, v9  }
0x54: {  	v6 =	vsel vm1, v6, v7;
	_ =	sdelay $0x1  }
.Ltmp1:
0x55: {  	(pc) =	sbr.rel @p1 .LBB2_4-.Ltmp1, $3  }
0x56: {  	_ =	sdelay $0x1  }
0x57: {  	s5 =	sadd.s32 $0x10, s5;
	[tilespmem:v6+s28+$0x0] =	vst.idx.msk $0xffff, v8  }
0x58: {  	s7 =	sadd.s32 $0x10, s7;
	s4 =	sadd.s32 $0x10, s4;
	v6 =	vld [tilespmem:s5+$0x0]  }
0x59: {  	v7 =	vld [tilespmem:s4+$0x0];
	_ =	sdelay $0x2  }
0x5a: {  	v8 =	vor.u32 s6, v0  }
0x5b: {  	v9 =	vadd.s32 v5, v8;
	v10 =	vxor.u32 $0xFFFFFFFF, v6  }
0x5c: {  	vm1 =	veq.s32 v7, $0x0;
	v7 =	vadd.s32 v10, v9  }
0x5d: {  	v6 =	vsel vm1, v6, v7;
	_ =	sdelay $0x4  }
0x5e: {  	s0 =	rddreg [dreg:$0x11];
	[tilespmem:v6+s28+$0x0] =	vst.idx.msk $0xffff, v8  }
0x5f: {  	v6 =	vld [tilespmem:s0+$0x1800];
	_ =	sdelay $0x7  }
0x60: {  	v6 =	vld.idx.msk [tilespmem:v6+s20+$0x0], $0xffff;
	_ =	sdelay $0x4  }
0x61: {  	[tilespmem:$0x2000] =	vst v6  }
0x62: {  	v6 =	vld [tilespmem:s0+$0x1810];
	_ =	sdelay $0x7  }
0x63: {  	v6 =	vld.idx.msk [tilespmem:v6+s20+$0x0], $0xffff;
	_ =	sdelay $0x4  }
0x64: {  	[tilespmem:$0x2010] =	vst v6  }
0x65: {  	v6 =	vld [tilespmem:s0+$0x1820];
	_ =	sdelay $0x7  }
0x66: {  	v6 =	vld.idx.msk [tilespmem:v6+s20+$0x0], $0xffff;
	_ =	sdelay $0x4  }
0x67: {  	[tilespmem:$0x2020] =	vst v6  }
0x68: {  	v6 =	vld [tilespmem:s0+$0x1830];
	_ =	sdelay $0x7  }
0x69: {  	v6 =	vld.idx.msk [tilespmem:v6+s20+$0x0], $0xffff;
	_ =	sdelay $0x4  }
0x6a: {  	s29 =	rddreg [dreg:$0x8];
	s5 =	simm.s32 $0x2000;
	[tilespmem:$0x2030] =	vst v6  }
0x6b: {  	[hbm4b:s29+s3] =	stream.linear.scatter [tilespmem:s5], [sflag:$0x3], $0x40, $0x38;
	[tilespmem:$0x12100] =	vst v63  }
0x6c: {  	_ =	swait.ge [sflag:s25], $0x40  }
0x6d: {  	[sflag:s25] =	ssyncset.done $0x0  }
0x6e: {  	[sflag:s25] =	ssyncadd.s32 $0xFFFFFFC0  }
0x6f: {  	v6 =	vld [tilespmem:s0+$0x1800];
	_ =	sdelay $0x4  }
0x70: {  	v7 =	vshll.u32 v6, $0x4  }
0x71: {  	v6 =	vand.u32 $0x7, v6;
	v7 =	vand.u32 $0xFFFFFF80, v7  }
0x72: {  	v6 =	vor.u32 v6, v7  }
0x73: {  	v7 =	vperm.xlane v6, v2;
	_ =	sdelay $0x1  }
0x74: {  	v7 =	vadd.s32 v3, v7;
	_ =	sdelay $0x3  }
0x75: {  	s8 =	rddreg [dreg:$0x1]  }
0x76: {  	[tilespmem:s31], [sflag:$0x1] =	stream.indirect_vreg.gather [hbm4b:s8+s3], $0x80, v7, vm0, $0xb8;
	[tilespmem:$0x12100] =	vst v63  }
0x77: {  	s5 =	simm.s32 $0x2880  }
0x78: {  	[tilespmem:s5], [sflag:$0x1] =	stream.indirect_vreg.gather [hbm4b:s1+s3], $0x80, v7, vm0, $0xb8;
	[tilespmem:$0x12100] =	vst v63  }
0x79: {  	s6 =	simm.s32 $0x3080  }
0x7a: {  	[tilespmem:s6], [sflag:$0x1] =	stream.indirect_vreg.gather [hbm4b:s11+s3], $0x80, v7, vm0, $0xb8;
	[tilespmem:$0x12100] =	vst v63  }
0x7b: {  	s7 =	simm.s32 $0x3880  }
0x7c: {  	[tilespmem:s7], [sflag:$0x1] =	stream.indirect_vreg.gather [hbm4b:s12+s3], $0x80, v7, vm0, $0xb8;
	[tilespmem:$0x12100] =	vst v63  }
0x7d: {  	s9 =	simm.s32 $0x4080  }
0x7e: {  	[tilespmem:s9], [sflag:$0x1] =	stream.indirect_vreg.gather [hbm4b:s13+s3], $0x80, v7, vm0, $0xb8;
	[tilespmem:$0x12100] =	vst v63  }
0x7f: {  	s17 =	simm.s32 $0x4880;
	v6 =	vperm.xlane v6, v4  }
0x80: {  	[tilespmem:s17], [sflag:$0x1] =	stream.indirect_vreg.gather [hbm4b:s14+s3], $0x80, v7, vm0, $0xb8;
	[tilespmem:$0x12100] =	vst v63  }
0x81: {  	s18 =	simm.s32 $0x5080;
	v6 =	vadd.s32 v3, v6  }
0x82: {  	[tilespmem:s18], [sflag:$0x1] =	stream.indirect_vreg.gather [hbm4b:s15+s3], $0x80, v7, vm0, $0xb8;
	[tilespmem:$0x12100] =	vst v63  }
0x83: {  	s19 =	simm.s32 $0x5880  }
0x84: {  	[tilespmem:s19], [sflag:$0x1] =	stream.indirect_vreg.gather [hbm4b:s23+s3], $0x80, v7, vm0, $0xb8;
	[tilespmem:$0x12100] =	vst v63  }
0x85: {  	s29 =	simm.s32 $0x6080  }
0x86: {  	[tilespmem:s29], [sflag:$0x1] =	stream.indirect_vreg.gather [hbm4b:s8+s3], $0x80, v6, vm0, $0xb8;
	[tilespmem:$0x12100] =	vst v63  }
0x87: {  	s20 =	simm.s32 $0x6880  }
0x88: {  	[tilespmem:s20], [sflag:$0x1] =	stream.indirect_vreg.gather [hbm4b:s1+s3], $0x80, v6, vm0, $0xb8;
	[tilespmem:$0x12100] =	vst v63  }
0x89: {  	_ = 	snop  }
0x8a: {  	[tilespmem:s21], [sflag:$0x1] =	stream.indirect_vreg.gather [hbm4b:s11+s3], $0x80, v6, vm0, $0xb8;
	[tilespmem:$0x12100] =	vst v63  }
0x8b: {  	_ = 	snop  }
0x8c: {  	[tilespmem:s22], [sflag:$0x1] =	stream.indirect_vreg.gather [hbm4b:s12+s3], $0x80, v6, vm0, $0xb8;
	[tilespmem:$0x12100] =	vst v63  }
0x8d: {  	_ = 	snop  }
0x8e: {  	[tilespmem:s24], [sflag:$0x1] =	stream.indirect_vreg.gather [hbm4b:s13+s3], $0x80, v6, vm0, $0xb8;
	[tilespmem:$0x12100] =	vst v63  }
0x8f: {  	_ = 	snop  }
0x90: {  	[tilespmem:s30], [sflag:$0x1] =	stream.indirect_vreg.gather [hbm4b:s14+s3], $0x80, v6, vm0, $0xb8;
	[tilespmem:$0x12100] =	vst v63  }
0x91: {  	_ = 	snop  }
0x92: {  	[tilespmem:s26], [sflag:$0x1] =	stream.indirect_vreg.gather [hbm4b:s15+s3], $0x80, v6, vm0, $0xb8;
	[tilespmem:$0x12100] =	vst v63  }
0x93: {  	s0 =	rddreg [dreg:$0x9]  }
0x94: {  	[tilespmem:s16], [sflag:$0x1] =	stream.indirect_vreg.gather [hbm4b:s23+s3], $0x80, v6, vm0, $0xb8;
	[tilespmem:$0x12100] =	vst v63  }
0x95: {  	v6 =	vld [tilespmem:s0+$0x1800];
	_ =	sdelay $0x4  }
0x96: {  	v7 =	vshll.u32 v6, $0x4  }
0x97: {  	v6 =	vand.u32 $0x7, v6;
	v7 =	vand.u32 $0xFFFFFF80, v7  }
0x98: {  	v6 =	vor.u32 v6, v7  }
0x99: {  	v7 =	vperm.xlane v6, v2;
	_ =	sdelay $0x1  }
0x9a: {  	v7 =	vadd.s32 v3, v7;
	_ =	sdelay $0x3  }
0x9b: {  	s0 =	simm.s32 $0xA080  }
0x9c: {  	[tilespmem:s0], [sflag:$0x2] =	stream.indirect_vreg.gather [hbm4b:s8+s3], $0x80, v7, vm0, $0xb8;
	[tilespmem:$0x12100] =	vst v63  }
0x9d: {  	s4 =	simm.s32 $0xA880  }
0x9e: {  	[tilespmem:s4], [sflag:$0x2] =	stream.indirect_vreg.gather [hbm4b:s1+s3], $0x80, v7, vm0, $0xb8;
	[tilespmem:$0x12100] =	vst v63  }
0x9f: {  	s4 =	simm.s32 $0xB080  }
0xa0: {  	[tilespmem:s4], [sflag:$0x2] =	stream.indirect_vreg.gather [hbm4b:s11+s3], $0x80, v7, vm0, $0xb8;
	[tilespmem:$0x12100] =	vst v63  }
0xa1: {  	s4 =	simm.s32 $0xB880  }
0xa2: {  	[tilespmem:s4], [sflag:$0x2] =	stream.indirect_vreg.gather [hbm4b:s12+s3], $0x80, v7, vm0, $0xb8;
	[tilespmem:$0x12100] =	vst v63  }
0xa3: {  	s4 =	simm.s32 $0xC080  }
0xa4: {  	[tilespmem:s4], [sflag:$0x2] =	stream.indirect_vreg.gather [hbm4b:s13+s3], $0x80, v7, vm0, $0xb8;
	[tilespmem:$0x12100] =	vst v63  }
0xa5: {  	v6 =	vperm.xlane v6, v4;
	s4 =	simm.s32 $0xC880  }
0xa6: {  	[tilespmem:s4], [sflag:$0x2] =	stream.indirect_vreg.gather [hbm4b:s14+s3], $0x80, v7, vm0, $0xb8;
	[tilespmem:$0x12100] =	vst v63  }
0xa7: {  	v6 =	vadd.s32 v3, v6;
	s4 =	simm.s32 $0xD080  }
0xa8: {  	[tilespmem:s4], [sflag:$0x2] =	stream.indirect_vreg.gather [hbm4b:s15+s3], $0x80, v7, vm0, $0xb8;
	[tilespmem:$0x12100] =	vst v63  }
0xa9: {  	s4 =	simm.s32 $0xD880  }
0xaa: {  	[tilespmem:s4], [sflag:$0x2] =	stream.indirect_vreg.gather [hbm4b:s23+s3], $0x80, v7, vm0, $0xb8;
	[tilespmem:$0x12100] =	vst v63  }
0xab: {  	s4 =	simm.s32 $0xE080  }
0xac: {  	[tilespmem:s4], [sflag:$0x2] =	stream.indirect_vreg.gather [hbm4b:s8+s3], $0x80, v6, vm0, $0xb8;
	[tilespmem:$0x12100] =	vst v63  }
0xad: {  	s4 =	simm.s32 $0xE880  }
0xae: {  	[tilespmem:s4], [sflag:$0x2] =	stream.indirect_vreg.gather [hbm4b:s1+s3], $0x80, v6, vm0, $0xb8;
	[tilespmem:$0x12100] =	vst v63  }
0xaf: {  	s4 =	simm.s32 $0xF080  }
0xb0: {  	[tilespmem:s4], [sflag:$0x2] =	stream.indirect_vreg.gather [hbm4b:s11+s3], $0x80, v6, vm0, $0xb8;
	[tilespmem:$0x12100] =	vst v63  }
0xb1: {  	s4 =	simm.s32 $0xF880  }
0xb2: {  	[tilespmem:s4], [sflag:$0x2] =	stream.indirect_vreg.gather [hbm4b:s12+s3], $0x80, v6, vm0, $0xb8;
	[tilespmem:$0x12100] =	vst v63  }
0xb3: {  	s4 =	simm.s32 $0x10080  }
0xb4: {  	[tilespmem:s4], [sflag:$0x2] =	stream.indirect_vreg.gather [hbm4b:s13+s3], $0x80, v6, vm0, $0xb8;
	[tilespmem:$0x12100] =	vst v63  }
0xb5: {  	s4 =	simm.s32 $0x10880  }
0xb6: {  	[tilespmem:s4], [sflag:$0x2] =	stream.indirect_vreg.gather [hbm4b:s14+s3], $0x80, v6, vm0, $0xb8;
	[tilespmem:$0x12100] =	vst v63  }
0xb7: {  	s4 =	simm.s32 $0x11080  }
0xb8: {  	[tilespmem:s4], [sflag:$0x2] =	stream.indirect_vreg.gather [hbm4b:s15+s3], $0x80, v6, vm0, $0xb8;
	[tilespmem:$0x12100] =	vst v63  }
0xb9: {  	s4 =	simm.s32 $0x11880  }
0xba: {  	[tilespmem:s4], [sflag:$0x2] =	stream.indirect_vreg.gather [hbm4b:s23+s3], $0x80, v6, vm0, $0xb8;
	[tilespmem:$0x12100] =	vst v63  }
0xbb: {  	_ =	swait.ge [sflag:s10], $0x8000  }
0xbc: {  	[sflag:s10] =	ssyncset.done $0x0  }
0xbd: {  	s4 =	rddreg [dreg:$0xa];
	[sflag:s10] =	ssyncadd.s32 $0xFFFF8000  }
0xbe: {  	[hbm4b:s4+s3] =	stream.linear.scatter [tilespmem:s31], [sflag:$0x3], $0x8000, $0x38;
	[tilespmem:$0x12100] =	vst v63  }
0xbf: {  	_ =	swait.ge [sflag:s25], $0x8000  }
0xc0: {  	[sflag:s25] =	ssyncset.done $0x0  }
0xc1: {  	s4 =	rddreg [dreg:$0xb];
	[sflag:s25] =	ssyncadd.s32 $0xFFFF8000  }
0xc2: {  	v6 =	vld [tilespmem:s4+$0x1800];
	_ =	sdelay $0x4  }
0xc3: {  	v7 =	vshll.u32 v6, $0x4  }
0xc4: {  	v6 =	vand.u32 $0x7, v6;
	v7 =	vand.u32 $0xFFFFFF80, v7  }
0xc5: {  	v6 =	vor.u32 v6, v7  }
0xc6: {  	v7 =	vperm.xlane v6, v2;
	_ =	sdelay $0x1  }
0xc7: {  	v7 =	vadd.s32 v3, v7;
	_ =	sdelay $0x4  }
0xc8: {  	[tilespmem:s31], [sflag:$0x1] =	stream.indirect_vreg.gather [hbm4b:s8+s3], $0x80, v7, vm0, $0xb8;
	[tilespmem:$0x12100] =	vst v63  }
0xc9: {  	_ = 	snop  }
0xca: {  	[tilespmem:s5], [sflag:$0x1] =	stream.indirect_vreg.gather [hbm4b:s1+s3], $0x80, v7, vm0, $0xb8;
	[tilespmem:$0x12100] =	vst v63  }
0xcb: {  	_ = 	snop  }
0xcc: {  	[tilespmem:s6], [sflag:$0x1] =	stream.indirect_vreg.gather [hbm4b:s11+s3], $0x80, v7, vm0, $0xb8;
	[tilespmem:$0x12100] =	vst v63  }
0xcd: {  	_ = 	snop  }
0xce: {  	[tilespmem:s7], [sflag:$0x1] =	stream.indirect_vreg.gather [hbm4b:s12+s3], $0x80, v7, vm0, $0xb8;
	[tilespmem:$0x12100] =	vst v63  }
0xcf: {  	_ = 	snop  }
0xd0: {  	[tilespmem:s9], [sflag:$0x1] =	stream.indirect_vreg.gather [hbm4b:s13+s3], $0x80, v7, vm0, $0xb8;
	[tilespmem:$0x12100] =	vst v63  }
0xd1: {  	v6 =	vperm.xlane v6, v4  }
0xd2: {  	[tilespmem:s17], [sflag:$0x1] =	stream.indirect_vreg.gather [hbm4b:s14+s3], $0x80, v7, vm0, $0xb8;
	[tilespmem:$0x12100] =	vst v63  }
0xd3: {  	v6 =	vadd.s32 v3, v6  }
0xd4: {  	[tilespmem:s18], [sflag:$0x1] =	stream.indirect_vreg.gather [hbm4b:s15+s3], $0x80, v7, vm0, $0xb8;
	[tilespmem:$0x12100] =	vst v63  }
0xd5: {  	_ = 	snop  }
0xd6: {  	[tilespmem:s19], [sflag:$0x1] =	stream.indirect_vreg.gather [hbm4b:s23+s3], $0x80, v7, vm0, $0xb8;
	[tilespmem:$0x12100] =	vst v63  }
0xd7: {  	_ = 	snop  }
0xd8: {  	[tilespmem:s29], [sflag:$0x1] =	stream.indirect_vreg.gather [hbm4b:s8+s3], $0x80, v6, vm0, $0xb8;
	[tilespmem:$0x12100] =	vst v63  }
0xd9: {  	_ = 	snop  }
0xda: {  	[tilespmem:s20], [sflag:$0x1] =	stream.indirect_vreg.gather [hbm4b:s1+s3], $0x80, v6, vm0, $0xb8;
	[tilespmem:$0x12100] =	vst v63  }
0xdb: {  	_ = 	snop  }
0xdc: {  	[tilespmem:s21], [sflag:$0x1] =	stream.indirect_vreg.gather [hbm4b:s11+s3], $0x80, v6, vm0, $0xb8;
	[tilespmem:$0x12100] =	vst v63  }
0xdd: {  	_ = 	snop  }
0xde: {  	[tilespmem:s22], [sflag:$0x1] =	stream.indirect_vreg.gather [hbm4b:s12+s3], $0x80, v6, vm0, $0xb8;
	[tilespmem:$0x12100] =	vst v63  }
0xdf: {  	_ = 	snop  }
0xe0: {  	[tilespmem:s24], [sflag:$0x1] =	stream.indirect_vreg.gather [hbm4b:s13+s3], $0x80, v6, vm0, $0xb8;
	[tilespmem:$0x12100] =	vst v63  }
0xe1: {  	_ = 	snop  }
0xe2: {  	[tilespmem:s30], [sflag:$0x1] =	stream.indirect_vreg.gather [hbm4b:s14+s3], $0x80, v6, vm0, $0xb8;
	[tilespmem:$0x12100] =	vst v63  }
0xe3: {  	_ = 	snop  }
0xe4: {  	[tilespmem:s26], [sflag:$0x1] =	stream.indirect_vreg.gather [hbm4b:s15+s3], $0x80, v6, vm0, $0xb8;
	[tilespmem:$0x12100] =	vst v63  }
0xe5: {  	s5 =	simm.s32 $0x2  }
0xe6: {  	[tilespmem:s16], [sflag:$0x1] =	stream.indirect_vreg.gather [hbm4b:s23+s3], $0x80, v6, vm0, $0xb8;
	[tilespmem:$0x12100] =	vst v63  }
0xe7: {  	_ =	swait.ge [sflag:s5], $0x8000  }
0xe8: {  	[sflag:s5] =	ssyncset.done $0x0  }
0xe9: {  	s9 =	rddreg [dreg:$0xd];
	[sflag:s5] =	ssyncadd.s32 $0xFFFF8000  }
0xea: {  	[hbm4b:s9+s3] =	stream.linear.scatter [tilespmem:s0], [sflag:$0x3], $0x8000, $0x38;
	[tilespmem:$0x12100] =	vst v63  }
0xeb: {  	_ =	swait.ge [sflag:s25], $0x8000  }
0xec: {  	[sflag:s25] =	ssyncset.done $0x0  }
0xed: {  	s17 =	rddreg [dreg:$0xc];
	[sflag:s25] =	ssyncadd.s32 $0xFFFF8000  }
0xee: {  	v6 =	vld [tilespmem:s17+$0x1800];
	_ =	sdelay $0x4  }
0xef: {  	v7 =	vshll.u32 v6, $0x4  }
0xf0: {  	v6 =	vand.u32 $0x7, v6;
	v7 =	vand.u32 $0xFFFFFF80, v7  }
0xf1: {  	v6 =	vor.u32 v6, v7  }
0xf2: {  	v7 =	vperm.xlane v6, v2;
	_ =	sdelay $0x1  }
0xf3: {  	v7 =	vadd.s32 v3, v7;
	_ =	sdelay $0x4  }
0xf4: {  	[tilespmem:s0], [sflag:$0x2] =	stream.indirect_vreg.gather [hbm4b:s8+s3], $0x80, v7, vm0, $0xb8;
	[tilespmem:$0x12100] =	vst v63  }
0xf5: {  	s18 =	simm.s32 $0xA880  }
0xf6: {  	[tilespmem:s18], [sflag:$0x2] =	stream.indirect_vreg.gather [hbm4b:s1+s3], $0x80, v7, vm0, $0xb8;
	[tilespmem:$0x12100] =	vst v63  }
0xf7: {  	s19 =	simm.s32 $0xB080  }
0xf8: {  	[tilespmem:s19], [sflag:$0x2] =	stream.indirect_vreg.gather [hbm4b:s11+s3], $0x80, v7, vm0, $0xb8;
	[tilespmem:$0x12100] =	vst v63  }
0xf9: {  	s29 =	simm.s32 $0xB880  }
0xfa: {  	[tilespmem:s29], [sflag:$0x2] =	stream.indirect_vreg.gather [hbm4b:s12+s3], $0x80, v7, vm0, $0xb8;
	[tilespmem:$0x12100] =	vst v63  }
0xfb: {  	s6 =	simm.s32 $0xC080  }
0xfc: {  	[tilespmem:s6], [sflag:$0x2] =	stream.indirect_vreg.gather [hbm4b:s13+s3], $0x80, v7, vm0, $0xb8;
	[tilespmem:$0x12100] =	vst v63  }
0xfd: {  	s7 =	simm.s32 $0xC880;
	v6 =	vperm.xlane v6, v4  }
0xfe: {  	[tilespmem:s7], [sflag:$0x2] =	stream.indirect_vreg.gather [hbm4b:s14+s3], $0x80, v7, vm0, $0xb8;
	[tilespmem:$0x12100] =	vst v63  }
0xff: {  	s9 =	simm.s32 $0xD080;
	v6 =	vadd.s32 v3, v6  }
0x100: {  	[tilespmem:s9], [sflag:$0x2] =	stream.indirect_vreg.gather [hbm4b:s15+s3], $0x80, v7, vm0, $0xb8;
	[tilespmem:$0x12100] =	vst v63  }
0x101: {  	s17 =	simm.s32 $0xD880  }
0x102: {  	[tilespmem:s17], [sflag:$0x2] =	stream.indirect_vreg.gather [hbm4b:s23+s3], $0x80, v7, vm0, $0xb8;
	[tilespmem:$0x12100] =	vst v63  }
0x103: {  	s18 =	simm.s32 $0xE080  }
0x104: {  	[tilespmem:s18], [sflag:$0x2] =	stream.indirect_vreg.gather [hbm4b:s8+s3], $0x80, v6, vm0, $0xb8;
	[tilespmem:$0x12100] =	vst v63  }
0x105: {  	s19 =	simm.s32 $0xE880  }
0x106: {  	[tilespmem:s19], [sflag:$0x2] =	stream.indirect_vreg.gather [hbm4b:s1+s3], $0x80, v6, vm0, $0xb8;
	[tilespmem:$0x12100] =	vst v63  }
0x107: {  	s29 =	simm.s32 $0xF080  }
0x108: {  	[tilespmem:s29], [sflag:$0x2] =	stream.indirect_vreg.gather [hbm4b:s11+s3], $0x80, v6, vm0, $0xb8;
	[tilespmem:$0x12100] =	vst v63  }
0x109: {  	s6 =	simm.s32 $0xF880  }
0x10a: {  	[tilespmem:s6], [sflag:$0x2] =	stream.indirect_vreg.gather [hbm4b:s12+s3], $0x80, v6, vm0, $0xb8;
	[tilespmem:$0x12100] =	vst v63  }
0x10b: {  	s7 =	simm.s32 $0x10080  }
0x10c: {  	[tilespmem:s7], [sflag:$0x2] =	stream.indirect_vreg.gather [hbm4b:s13+s3], $0x80, v6, vm0, $0xb8;
	[tilespmem:$0x12100] =	vst v63  }
0x10d: {  	s8 =	simm.s32 $0x10880  }
0x10e: {  	[tilespmem:s8], [sflag:$0x2] =	stream.indirect_vreg.gather [hbm4b:s14+s3], $0x80, v6, vm0, $0xb8;
	[tilespmem:$0x12100] =	vst v63  }
0x10f: {  	s9 =	simm.s32 $0x11080  }
0x110: {  	[tilespmem:s9], [sflag:$0x2] =	stream.indirect_vreg.gather [hbm4b:s15+s3], $0x80, v6, vm0, $0xb8;
	[tilespmem:$0x12100] =	vst v63  }
0x111: {  	s17 =	simm.s32 $0x11880  }
0x112: {  	[tilespmem:s17], [sflag:$0x2] =	stream.indirect_vreg.gather [hbm4b:s23+s3], $0x80, v6, vm0, $0xb8;
	[tilespmem:$0x12100] =	vst v63  }
0x113: {  	_ =	swait.ge [sflag:s10], $0x8000  }
0x114: {  	[sflag:s10] =	ssyncset.done $0x0  }
0x115: {  	s18 =	rddreg [dreg:$0xe];
	[sflag:s10] =	ssyncadd.s32 $0xFFFF8000  }
0x116: {  	[hbm4b:s18+s3] =	stream.linear.scatter [tilespmem:s31], [sflag:$0x3], $0x8000, $0x38;
	[tilespmem:$0x12100] =	vst v63  }
0x117: {  	_ =	swait.ge [sflag:s25], $0x8000  }
0x118: {  	[sflag:s25] =	ssyncset.done $0x0  }
0x119: {  	[sflag:s25] =	ssyncadd.s32 $0xFFFF8000  }
0x11a: {  	_ =	swait.ge [sflag:s5], $0x8000  }
0x11b: {  	[sflag:s5] =	ssyncset.done $0x0  }
0x11c: {  	s19 =	rddreg [dreg:$0xf];
	[sflag:s5] =	ssyncadd.s32 $0xFFFF8000  }
0x11d: {  	[hbm4b:s19+s3] =	stream.linear.scatter [tilespmem:s0], [sflag:$0x3], $0x8000, $0x38;
	[tilespmem:$0x12100] =	vst v63  }
0x11e: {  	_ =	swait.ge [sflag:s25], $0x8000  }
0x11f: {  	s4 =	simm.s32 @!p0 $0x0;
	[sflag:s25] =	ssyncset.done $0x0  }
0x120: {  	s5 =	simm.s32 @!p0 $0x1800;
	s6 =	rddreg [dreg:$0x6];
	[sflag:s25] =	ssyncadd.s32 $0xFFFF8000  }
0x121: {  	[hbm4b:s6+s4] =	stream.linear.scatter @!p0 [tilespmem:s5], [sflag:$0x3], $0x800, $0x38;
	[tilespmem:$0x12100] =	vst v63  }
0x122: {  	s5 =	simm.s32 @!p0 $0x3  }
0x123: {  	_ =	swait.ge @!p0 [sflag:s5], $0x800  }
0x124: {  	[sflag:s5] =	ssyncset.done @!p0 $0x0  }
0x125: {  	[sflag:s5] =	ssyncadd.s32 @!p0 $0xFFFFF800  }
0x126: {  	s6 =	simm.s32 @!p0 $0x12080;
	s7 =	rddreg [dreg:$0x7];
	[tilespmem:$0x12080] =	vst @!p0 v5  }
0x127: {  	[hbm4b:s7+s4] =	stream.linear.scatter @!p0 [tilespmem:s6], [sflag:$0x3], $0x80, $0x38;
	[tilespmem:$0x12100] =	vst v63  }
0x128: {  	_ =	swait.ge @!p0 [sflag:s5], $0x80  }
0x129: {  	s2 =	sadd.s32 $0x1, s2;
	s29 =	rddreg [dreg:$0x10]  }
0x12a: {  	p1 =	sne.s32 s2, s29  }
.Ltmp2:
0x12b: {  	_ = 	snop;
	(pc) =	sbr.rel @p1 .LBB2_1-.Ltmp2, $3  }
0x12c: {  	_ =	sdelay $0x1  }
0x12d: {  	[sflag:s5] =	ssyncset.done @!p0 $0x0  }
0x12e: {  	s20 =	simm.s32 $0x800;
	[sflag:s5] =	ssyncadd.s32 @!p0 $0xFFFFFF80  }
0x12f: {  	_ =	sfence.sel $0x180000  }
0x130: {  	[bflag:$0x0] =	sbarrier.arrive $0xFFFF  }
0x131: {  	_ =	strace $0x90000047  }
0x132: {  	s0 =	stileid.u32;
	[bflag:$0x2] =	sbarrier.arrive $0xFFFF  }
0x133: {  	p0 =	sne.s32 s0, $0x0;
	s0 =	rddreg [dreg:$0x3]  }
0x134: {  	s0 =	sadd.s32 @!p0 $0x100000, s0  }
0x135: {  	[sflag:s0] =	ssyncadd.tile.s32 @!p0 $0x1;
	_ =	shalt  }
.Lfunc_end2:
_tile_overlayer_lowered:
.L_overlay_start_2:
0x136: {  	(tag) =	ssettag $0x2  }
0x137: {  	s0 =	rddreg [dreg:$0x0];
	s2 =	stileid.u32  }
0x138: {  	s1 =	rddreg [dreg:$0x1];
	p0 =	sne.s32 s2, $0x0  }
0x139: {  	s3 =	rddreg [dreg:$0x2];
	[bflag:$0x3] =	sbarrier.arrive $0xFFFF;
	s2 =	simm.s32 @!p0 $0x1C03  }
0x13a: {  	[timem:s3], [sflag:s2] =	dma.local @!p0 [hbm:s0], s1  }
0x13b: {  	s0 =	simm.s32 @!p0 $0x3  }
0x13c: {  	_ =	swait.ge @!p0 [sflag:s0], s1  }
0x13d: {  	s1 =	ssub.s32 @!p0 $0x0, s1;
	[sflag:s0] =	ssyncset.done @!p0 $0x0  }
0x13e: {  	[sflag:s0] =	ssyncadd.s32 @!p0 s1  }
0x13f: {  	[bflag:$0x3] =	sbarrier.arrive $0xFFFF  }
0x140: {  	_ =	shalt  }

// kernel: kernel.9.cloned.1.call-start
scs
__scs_entry_jumppad:
0x0: {  	(pc) =	sbr.rel $0x88, $3  }
0x1: {  	(tag) =	ssettag $0x0;
	lr =	simm.s32 $0x1  }
0x2: {  	[smem:$0x3F9D] =	sst lr;
	_ =	strace $0xD0000000  }
0x3: {  	_ = 	snop  }
0x4: {  	_ = 	snop  }
0x5: {  	_ = 	snop  }
0x6: {  	_ = 	snop  }
0x7: {  	_ = 	snop  }
__scs_overlays_trampoline_lowered:
0x8: {  	[smem:$0x3FAC] =	sst s0  }
0x9: {  	[smem:$0x3FAD] =	sst s1  }
0xa: {  	[smem:$0x3FAE] =	sst s2  }
0xb: {  	[smem:$0x3FAF] =	sst s3  }
0xc: {  	[smem:$0x3FB0] =	sst s4  }
0xd: {  	[smem:$0x3FB1] =	sst s5  }
0xe: {  	[smem:$0x3FB2] =	sst s6  }
0xf: {  	[smem:$0x3FB3] =	sst s7  }
0x10: {  	[smem:$0x3FB4] =	sst s8  }
0x11: {  	[smem:$0x3FB5] =	sst s9;
	s0 =	simm.s32 @!p0 $0x0  }
0x12: {  	s1 =	sld [smem:$0x3F9B];
	s0 =	simm.s32 @p0 $0x1  }
0x13: {  	[smem:$0x3FB6] =	sst s0;
	s0 =	simm.s32 @!p1 $0x0  }
0x14: {  	s2 =	sld [smem:$0x3F9A];
	s0 =	simm.s32 @p1 $0x1  }
0x15: {  	[smem:$0x3FB7] =	sst s0;
	s0 =	simm.s32 @!p2 $0x0  }
0x16: {  	s3 =	sld [smem:$0x3FDB];
	s0 =	simm.s32 @p2 $0x1  }
0x17: {  	s4 =	simm.s32 $0x1BF5;
	[smem:$0x3FB9] =	sst s0  }
0x18: {  	s0 =	sld [smem:$0x3F9C];
	_ =	swait.ge [sflag:s4], $0x0  }
0x19: {  	s7 =	sld [smem:$0x3F9D]  }
0x1a: {  	s8 =	sadd.s32 $0xFFFFE003, lr  }
0x1b: {  	s9 =	sadd.s32 $0xFFFFFEF7, lr;
	s5 =	simm.s32 $0xFFFFFFFF;
	p2 =	slt.u32 s8, $0xFFFFF086  }
0x1c: {  	p1 =	slt.u32 s9, $0xF7A;
	s5 =	simm.s32 @!p2 $0x0  }
0x1d: {  	s5 =	simm.s32 @p1 $0x1;
	p0 =	seq.s32 s7, s2  }
0x1e: {  	s7 =	smul.u32 @!p0 $0xF7A, s2;
	p2 =	seq.s32 @!p0 s5, $0x0  }
0x1f: {  	s9 =	smul.u32 $0xF7A, s1;
	s8 =	simm.s32 @!p0 $0x1BF5;
	p2 =	por !p2, p0  }
0x20: {  	[sflag:s8] =	ssyncset.s32 @!p0 $0xFFFFF086;
	s6 =	sadd.s32 @!p0 s3, s7;
	s7 =	simm.s32 @!p0 $0x108  }
0x21: {  	s3 =	sadd.s32 s3, s9;
	s6 =	sadd.s32 @!p0 $0x88, s6;
	s7 =	simm.s32 @p2 $0x1082  }
0x22: {  	[simem:s7], [sflag:s8] =	dma.local @!p0 [hbm:s6], $0xF7A  }
0x23: {  	s9 =	sor.u32 $0xD0000000, s2;
	s6 =	simm.s32 $0x108;
	_ =	swait.ge @!p0 [sflag:s8], $0x0  }
0x24: {  	s3 =	sadd.s32 $0x88, s3;
	s6 =	simm.s32 @!p1 $0x1082;
	[sflag:s4] =	ssyncset.s32 $0xFFFFF086  }
0x25: {  	[simem:s6], [sflag:s4] =	dma.local [hbm:s3], $0xF7A  }
0x26: {  	[smem:$0x3F9D] =	sst s1;
	(tag) =	ssettag s2;
	_ =	strace s9  }
0x27: {  	s1 =	sld [smem:$0x3FAD]  }
0x28: {  	s2 =	sld [smem:$0x3FAE]  }
0x29: {  	s4 =	sld [smem:$0x3FB0]  }
0x2a: {  	p0 =	seq.s32 s5, $0x0;
	s5 =	sld [smem:$0x3FB1]  }
0x2b: {  	s6 =	sld [smem:$0x3FB2]  }
0x2c: {  	s7 =	sld [smem:$0x3FB3]  }
0x2d: {  	s3 =	simm.s32 $0x108;
	s8 =	sld [smem:$0x3FB4]  }
0x2e: {  	s3 =	simm.s32 @!p0 $0x1082;
	s9 =	sld [smem:$0x3FB5]  }
0x2f: {  	lr =	sadd.s32 s0, s3;
	s0 =	sld [smem:$0x3FAC]  }
0x30: {  	s3 =	sld [smem:$0x3FAF]  }
0x31: {  	[smem:$0x3FB8] =	sst s10  }
0x32: {  	s10 =	sld [smem:$0x3FB6];
	_ =	sdelay $0x3  }
0x33: {  	p0 =	seq.s32 s10, $0x1;
	s10 =	sld [smem:$0x3FB8];
	_ =	sdelay $0x3  }
0x34: {  	[smem:$0x3FB8] =	sst s10  }
0x35: {  	s10 =	sld [smem:$0x3FB7];
	_ =	sdelay $0x3  }
0x36: {  	p1 =	seq.s32 s10, $0x1;
	s10 =	sld [smem:$0x3FB8];
	_ =	sdelay $0x3  }
0x37: {  	[smem:$0x3FB8] =	sst s10  }
0x38: {  	s10 =	sld [smem:$0x3FB9]  }
0x39: {  	_ = 	snop;
	(pc) =	sbr.ind lr, $3  }
0x3a: {  	_ = 	snop  }
0x3b: {  	_ = 	snop  }
0x3c: {  	p2 =	seq.s32 s10, $0x1;
	s10 =	sld [smem:$0x3FB8]  }
0x3d: {  	_ =	shalt  }
0x3e: {  	_ =	shalt  }
0x3f: {  	_ =	shalt  }
0x40: {  	_ =	shalt  }
0x41: {  	_ =	shalt  }
0x42: {  	_ =	shalt  }
0x43: {  	_ =	shalt  }
0x44: {  	_ =	shalt  }
0x45: {  	_ =	shalt  }
0x46: {  	_ =	shalt  }
0x47: {  	_ =	shalt  }
0x48: {  	_ =	shalt  }
0x49: {  	_ =	shalt  }
0x4a: {  	_ =	shalt  }
0x4b: {  	_ =	shalt  }
0x4c: {  	_ =	shalt  }
0x4d: {  	_ =	shalt  }
0x4e: {  	_ =	shalt  }
0x4f: {  	_ =	shalt  }
0x50: {  	_ =	shalt  }
0x51: {  	_ =	shalt  }
0x52: {  	_ =	shalt  }
0x53: {  	_ =	shalt  }
0x54: {  	_ =	shalt  }
0x55: {  	_ =	shalt  }
0x56: {  	_ =	shalt  }
0x57: {  	_ =	shalt  }
0x58: {  	_ =	shalt  }
0x59: {  	_ =	shalt  }
0x5a: {  	_ =	shalt  }
0x5b: {  	_ =	shalt  }
0x5c: {  	_ =	shalt  }
0x5d: {  	_ =	shalt  }
0x5e: {  	_ =	shalt  }
0x5f: {  	_ =	shalt  }
0x60: {  	_ =	shalt  }
0x61: {  	_ =	shalt  }
0x62: {  	_ =	shalt  }
0x63: {  	_ =	shalt  }
0x64: {  	_ =	shalt  }
0x65: {  	_ =	shalt  }
0x66: {  	_ =	shalt  }
0x67: {  	_ =	shalt  }
0x68: {  	_ =	shalt  }
0x69: {  	_ =	shalt  }
0x6a: {  	_ =	shalt  }
0x6b: {  	_ =	shalt  }
0x6c: {  	_ =	shalt  }
0x6d: {  	_ =	shalt  }
0x6e: {  	_ =	shalt  }
0x6f: {  	_ =	shalt  }
0x70: {  	_ =	shalt  }
0x71: {  	_ =	shalt  }
0x72: {  	_ =	shalt  }
0x73: {  	_ =	shalt  }
0x74: {  	_ =	shalt  }
0x75: {  	_ =	shalt  }
0x76: {  	_ =	shalt  }
0x77: {  	_ =	shalt  }
0x78: {  	_ =	shalt  }
0x79: {  	_ =	shalt  }
0x7a: {  	_ =	shalt  }
0x7b: {  	_ =	shalt  }
0x7c: {  	_ =	shalt  }
0x7d: {  	_ =	shalt  }
0x7e: {  	_ =	shalt  }
0x7f: {  	_ =	shalt  }
0x80: {  	_ =	shalt  }
0x81: {  	_ =	shalt  }
0x82: {  	_ =	shalt  }
0x83: {  	_ =	shalt  }
0x84: {  	_ =	shalt  }
0x85: {  	_ =	shalt  }
0x86: {  	_ =	shalt  }
0x87: {  	_ =	shalt  }
.Lfunc_end0:
.L_simem_size_0:
called_computation.2_lowered:
.L_overlay_start_0:
0x88: {  	s2 =	sld [smem:$0x3FD9]  }
0x89: {  	s3 =	sld [smem:$0x3FFE];
	_ =	sdelay $0x1  }
0x8a: {  	s1 =	srdreg.scid  }
0x8b: {  	s0 =	sand.u32 $0x1, s1  }
0x8c: {  	s17 =	sshll.u32 s0, $0xA;
	s2 =	sadd.s32 s3, s2  }
0x8d: {  	s2 =	sadd.s32 s2, s17  }
0x8e: {  	[smem:$0x3FC4] =	sst s2  }
0x8f: {  	_ = 	snop  }
0x90: {  	s2 =	sld [smem:$0x3FD0];
	(tm) =	ssettm $0x1  }
0x91: {  	s18 =	sld [smem:$0x3FFB];
	_ =	sdelay $0x3  }
0x92: {  	_ =	strace s18  }
0x93: {  	s3 =	sld [smem:$0x3FFC];
	_ =	sdelay $0x3  }
0x94: {  	_ =	strace s3  }
0x95: {  	s3 =	sld [smem:$0x3FFD];
	_ =	sdelay $0x3  }
0x96: {  	_ =	strace s3  }
0x97: {  	_ =	strace $0x8FFFFFFF  }
0x98: {  	s19 =	sld [smem:$0x3FDB];
	_ =	sdelay $0x1  }
0x99: {  	s4 =	simm.s32 $_scs_section_size  }
0x9a: {  	s5 =	simm.s32 $_size__tile_overlayer_lowered;
	s6 =	simm.s32 $_tile_overlayer_lowered  }
0x9b: {  	s22 =	simm.s32 $0x1BFF;
	s21 =	sshll.u32 s6, $0x1;
	s3 =	sadd.s32 s4, s19  }
0x9c: {  	s7 =	simm.s32 $0x0;
	s20 =	sshll.u32 s5, $0x1;
	s5 =	sadd.s32 s21, s3  }
0x9d: {  	[timem:s7], [sflag:s22] =	dma.local [hbm:s5], s20  }
0x9e: {  	_ =	swait.ge [sflag:s22], s20  }
0x9f: {  	s4 =	ssub.s32 $0x0, s20;
	[sflag:s22] =	ssyncset.done $0x0  }
0xa0: {  	[sflag:s22] =	ssyncadd.s32 s4;
	_ =	sdelay $0x1  }
0xa1: {  	s23 =	simm.s32 $0x1B8B  }
0xa2: {  	_ =	swait.ge [sflag:s23], $0x1  }
0xa3: {  	[sflag:s23] =	ssyncset.done $0x0  }
0xa4: {  	s25 =	simm.s32 $0x1B8E;
	s24 =	sld [smem:$0x3FFE];
	[sflag:s23] =	ssyncadd.s32 $0xFFFFFFFF  }
0xa5: {  	s26 =	simm.s32 $execute0_lowered;
	[smem:$0x3FD2] =	sst s25  }
0xa6: {  	s5 =	sshll.u32 s26, $0x1;
	_ =	strace $0x8000004C;
	[dreg:$0x1] =	wrdreg $0xFFFFFFFF  }
0xa7: {  	s28 =	simm.s32 $_size_execute0_lowered;
	s3 =	sadd.s32 s3, s5;
	[dreg:$0x0] =	wrdreg $0x0  }
0xa8: {  	s5 =	sshll.u32 s28, $0x1;
	[dreg:$0x2] =	wrdreg s3  }
0xa9: {  	[dreg:$0x3] =	wrdreg s5  }
0xaa: {  	[dreg:$0x4] =	wrdreg $0xC0  }
0xab: {  	_ =	task [dreg:s7], $0x5FFFF  }
0xac: {  	[dreg:$0x1] =	wrdreg $0xFFFFFFFF  }
0xad: {  	[dreg:$0x0] =	wrdreg $0x60  }
0xae: {  	[dreg:$0x2] =	wrdreg s24  }
0xaf: {  	[dreg:$0x3] =	wrdreg s2  }
0xb0: {  	[dreg:$0x4] =	wrdreg $0x9  }
0xb1: {  	_ =	task.clear_ibuf [dreg:s7], $0x5FFFF;
	_ =	strace $0x9000004C  }
0xb2: {  	s29 =	simm.s32 $0x9;
	_ =	strace $0x8000004E  }
0xb3: {  	_ =	swait.ge [sflag:s29], $0x1  }
0xb4: {  	[sflag:s29] =	ssyncadd.s32 $0xFFFFFFFF  }
0xb5: {  	_ =	strace $0x9000004E  }
0xb6: {  	_ =	sfence  }
0xb7: {  	s30 =	sld [smem:$0x0];
	_ =	sdelay $0x2  }
0xb8: {  	s31 =	sshll.u32 s1, $0xD;
	s1 =	sshrl.u32 s1, $0x2  }
0xb9: {  	s3 =	sand.u32 $0x4000, s31;
	s1 =	sadd.s32 s1, s30  }
0xba: {  	s0 =	sor.u32 s3, s0;
	s1 =	sshll.u32 s1, $0x11  }
0xbb: {  	s0 =	sor.u32 s1, s0  }
0xbc: {  	s0 =	sadd.s32 $0x8F2B, s0  }
0xbd: {  	[sflag:s0] =	ssyncadd.remote.s32 $0x1  }
0xbe: {  	_ =	sfence.sel $0xFFFF  }
0xbf: {  	[dreg:$0x0] =	wrdreg $0xFFFFFFFF;
	(pc) =	sbr.abs _section_cstart, $3  }
0xc0: {  	[dreg:$0x1] =	wrdreg $0xFFFFFFFF  }
0xc1: {  	_ =	task.clear_ibuf [dreg:s7], $0x2FFFF;
	_ =	strace $0x9FFFFFFF  }
0xc2: {  	(tm) =	ssettm $0x7FFFFFFF  }
0xc3: {  	_ =	shalt  }
tec
execute0_lowered:
.L_overlay_start_1:
0x0: {  	(tag) =	ssettag $0x1  }
0x1: {  	s0 =	srdreg.scid  }
0x2: {  	s2 =	stileid.u32;
	s1 =	rddreg [dreg:$0x0]  }
0x3: {  	s13 =	rddreg [dreg:$0x1];
	s16 =	simm.s32 $0x4;
	s14 =	simm.s32 $0x200  }
0x4: {  	s15 =	simm.s32 $0x8200;
	s19 =	simm.s32 $0x9A00;
	s20 =	simm.s32 $0xA200  }
0x5: {  	s21 =	simm.s32 $0xAA00;
	s22 =	simm.s32 $0xB200;
	s28 =	simm.s32 $0xDA00  }
0x6: {  	s29 =	simm.s32 $0xE200;
	s30 =	simm.s32 $0xEA00;
	s31 =	simm.s32 $0xF200  }
0x7: {  	s0 =	sand.u32 $0x1, s0;
	s3 =	sshll.u32 s2, $0x1;
	s6 =	sadd.s32 $0x300, s13  }
0x8: {  	s7 =	sadd.s32 $0x400, s13;
	s8 =	sadd.s32 $0x500, s13;
	s9 =	sadd.s32 $0x600, s13  }
0x9: {  	s10 =	sadd.s32 $0x700, s13;
	s2 =	simm.s32 $0x2;
	s4 =	sor.u32 s0, s3  }
0xa: {  	s3 =	simm.s32 $0x0;
	s0 =	ssub.s32 $0x2, s0;
	s5 =	sshll.u32 s4, $0x6  }
0xb: {  	[smem:$0x7FF] =	sst s3;
	s4 =	sshll.u32 s4, $0xE;
	s5 =	sadd.s32 s5, s1  }
0xc: {  	s25 =	sshrl.u32 s0, $0x1;
	s1 =	sadd.s32 s4, s1;
	s23 =	sadd.s32 $0x2400, s5  }
0xd: {  	_ =	strace $0x8000004D;
	s24 =	sadd.s32 $0xCC00, s1;
	[dreg:$0x3] =	wrdreg s23  }
0xe: {  	s0 =	ssub.s32 s0, s25;
	s26 =	sadd.s32 $0xDC00, s1;
	[dreg:$0x4] =	wrdreg s24  }
0xf: {  	s4 =	sadd.s32 $0x100, s13;
	s11 =	sadd.s32 $0xEC00, s1;
	[dreg:$0x5] =	wrdreg s26  }
0x10: {  	v2 =	vlaneseq.u32;
	s25 =	simm.s32 $0xCA00;
	s1 =	sadd.s32 $0xFC00, s1;
	[dreg:$0x6] =	wrdreg s11  }
0x11: {  	vm0 =	vmmov $0xffff;
	v1 =	vshrl.u32 v2, $0x3;
	s5 =	sadd.s32 $0x200, s13;
	[dreg:$0x7] =	wrdreg s1;
	s11 =	smax.u32 s0, $0x1  }
0x12: {  	v0 =	vand.u32 $0x7, v2;
	v2 =	vor.u32 $0x8, v2;
	v1 =	vmul.u32 $0x8, v1;
	s23 =	simm.s32 $0xBA00;
	s24 =	simm.s32 $0xC200;
	s26 =	simm.s32 $0xD200  }
.LBB2_1:
0x13: {  	s17 =	rddreg [dreg:$0x3];
	s12 =	simm.s32 $0x5  }
0x14: {  	[tilespmem:s3], [sflag:$0x5] =	stream.linear.gather [hbm4b:s17+s3], $0x200, $0x38;
	[tilespmem:$0x10200] =	vst v63  }
0x15: {  	_ =	swait.ge [sflag:s12], $0x200  }
0x16: {  	[sflag:s12] =	ssyncset.done $0x0  }
0x17: {  	s1 =	rddreg [dreg:$0x4];
	[sflag:s12] =	ssyncadd.s32 $0xFFFFFE00  }
0x18: {  	[tilespmem:s14], [sflag:$0x1] =	stream.linear.gather [hbm4b:s1+s3], $0x8000, $0x38;
	[tilespmem:$0x10200] =	vst v63  }
0x19: {  	s18 =	rddreg [dreg:$0x5];
	s1 =	simm.s32 $0x1  }
0x1a: {  	[tilespmem:s15], [sflag:$0x2] =	stream.linear.gather [hbm4b:s18+s3], $0x8000, $0x38;
	[tilespmem:$0x10200] =	vst v63  }
0x1b: {  	_ =	swait.ge [sflag:s1], $0x8000  }
0x1c: {  	[sflag:s1] =	ssyncset.done $0x0  }
0x1d: {  	[sflag:s1] =	ssyncadd.s32 $0xFFFF8000  }
0x1e: {  	v3 =	vld [tilespmem:$0x0];
	_ =	sdelay $0x4  }
0x1f: {  	v4 =	vshll.u32 v3, $0x4  }
0x20: {  	v3 =	vand.u32 $0x7, v3;
	v4 =	vand.u32 $0xFFFFFF80, v4  }
0x21: {  	v3 =	vor.u32 v3, v4  }
0x22: {  	v4 =	vperm.xlane v3, v0;
	_ =	sdelay $0x1  }
0x23: {  	v4 =	vadd.s32 v1, v4;
	_ =	sdelay $0x4  }
0x24: {  	[hbm4b:s13+s3] =	stream.indirect_vreg.scatter [tilespmem:s14], [sflag:$0x3], $0x80, v4, vm0, $0xb8;
	[tilespmem:$0x10200] =	vst v63  }
0x25: {  	s0 =	simm.s32 $0xA00  }
0x26: {  	[hbm4b:s4+s3] =	stream.indirect_vreg.scatter [tilespmem:s0], [sflag:$0x3], $0x80, v4, vm0, $0xb8;
	[tilespmem:$0x10200] =	vst v63  }
0x27: {  	s17 =	simm.s32 $0x1200  }
0x28: {  	[hbm4b:s5+s3] =	stream.indirect_vreg.scatter [tilespmem:s17], [sflag:$0x3], $0x80, v4, vm0, $0xb8;
	[tilespmem:$0x10200] =	vst v63  }
0x29: {  	s18 =	simm.s32 $0x1A00  }
0x2a: {  	[hbm4b:s6+s3] =	stream.indirect_vreg.scatter [tilespmem:s18], [sflag:$0x3], $0x80, v4, vm0, $0xb8;
	[tilespmem:$0x10200] =	vst v63  }
0x2b: {  	s12 =	simm.s32 $0x2200  }
0x2c: {  	[hbm4b:s7+s3] =	stream.indirect_vreg.scatter [tilespmem:s12], [sflag:$0x3], $0x80, v4, vm0, $0xb8;
	[tilespmem:$0x10200] =	vst v63  }
0x2d: {  	v3 =	vperm.xlane v3, v2;
	s17 =	simm.s32 $0x2A00  }
0x2e: {  	[hbm4b:s8+s3] =	stream.indirect_vreg.scatter [tilespmem:s17], [sflag:$0x3], $0x80, v4, vm0, $0xb8;
	[tilespmem:$0x10200] =	vst v63  }
0x2f: {  	v3 =	vadd.s32 v1, v3;
	s18 =	simm.s32 $0x3200  }
0x30: {  	[hbm4b:s9+s3] =	stream.indirect_vreg.scatter [tilespmem:s18], [sflag:$0x3], $0x80, v4, vm0, $0xb8;
	[tilespmem:$0x10200] =	vst v63  }
0x31: {  	s12 =	simm.s32 $0x3A00  }
0x32: {  	[hbm4b:s10+s3] =	stream.indirect_vreg.scatter [tilespmem:s12], [sflag:$0x3], $0x80, v4, vm0, $0xb8;
	[tilespmem:$0x10200] =	vst v63  }
0x33: {  	s17 =	simm.s32 $0x4200  }
0x34: {  	[hbm4b:s13+s3] =	stream.indirect_vreg.scatter [tilespmem:s17], [sflag:$0x3], $0x80, v3, vm0, $0xb8;
	[tilespmem:$0x10200] =	vst v63  }
0x35: {  	s18 =	simm.s32 $0x4A00  }
0x36: {  	[hbm4b:s4+s3] =	stream.indirect_vreg.scatter [tilespmem:s18], [sflag:$0x3], $0x80, v3, vm0, $0xb8;
	[tilespmem:$0x10200] =	vst v63  }
0x37: {  	s12 =	simm.s32 $0x5200  }
0x38: {  	[hbm4b:s5+s3] =	stream.indirect_vreg.scatter [tilespmem:s12], [sflag:$0x3], $0x80, v3, vm0, $0xb8;
	[tilespmem:$0x10200] =	vst v63  }
0x39: {  	s17 =	simm.s32 $0x5A00  }
0x3a: {  	[hbm4b:s6+s3] =	stream.indirect_vreg.scatter [tilespmem:s17], [sflag:$0x3], $0x80, v3, vm0, $0xb8;
	[tilespmem:$0x10200] =	vst v63  }
0x3b: {  	s18 =	simm.s32 $0x6200  }
0x3c: {  	[hbm4b:s7+s3] =	stream.indirect_vreg.scatter [tilespmem:s18], [sflag:$0x3], $0x80, v3, vm0, $0xb8;
	[tilespmem:$0x10200] =	vst v63  }
0x3d: {  	s12 =	simm.s32 $0x6A00  }
0x3e: {  	[hbm4b:s8+s3] =	stream.indirect_vreg.scatter [tilespmem:s12], [sflag:$0x3], $0x80, v3, vm0, $0xb8;
	[tilespmem:$0x10200] =	vst v63  }
0x3f: {  	s17 =	simm.s32 $0x7200  }
0x40: {  	[hbm4b:s9+s3] =	stream.indirect_vreg.scatter [tilespmem:s17], [sflag:$0x3], $0x80, v3, vm0, $0xb8;
	[tilespmem:$0x10200] =	vst v63  }
0x41: {  	s0 =	simm.s32 $0x3;
	s18 =	simm.s32 $0x7A00  }
0x42: {  	[hbm4b:s10+s3] =	stream.indirect_vreg.scatter [tilespmem:s18], [sflag:$0x3], $0x80, v3, vm0, $0xb8;
	[tilespmem:$0x10200] =	vst v63  }
0x43: {  	_ =	swait.ge [sflag:s0], $0x8000  }
0x44: {  	[sflag:s0] =	ssyncset.done $0x0  }
0x45: {  	s12 =	rddreg [dreg:$0x6];
	[sflag:s0] =	ssyncadd.s32 $0xFFFF8000  }
0x46: {  	[tilespmem:s14], [sflag:$0x1] =	stream.linear.gather [hbm4b:s12+s3], $0x8000, $0x38;
	[tilespmem:$0x10200] =	vst v63  }
0x47: {  	_ =	swait.ge [sflag:s2], $0x8000  }
0x48: {  	[sflag:s2] =	ssyncset.done $0x0  }
0x49: {  	[sflag:s2] =	ssyncadd.s32 $0xFFFF8000  }
0x4a: {  	v3 =	vld [tilespmem:$0x80];
	_ =	sdelay $0x4  }
0x4b: {  	v61 =	vshll.u32 v3, $0x4  }
0x4c: {  	v3 =	vand.u32 $0x7, v3;
	v4 =	vand.u32 $0xFFFFFF80, v61  }
0x4d: {  	v3 =	vor.u32 v3, v4  }
0x4e: {  	v4 =	vperm.xlane v3, v0;
	_ =	sdelay $0x1  }
0x4f: {  	v4 =	vadd.s32 v1, v4;
	_ =	sdelay $0x4  }
0x50: {  	[hbm4b:s13+s3] =	stream.indirect_vreg.scatter [tilespmem:s15], [sflag:$0x4], $0x80, v4, vm0, $0xb8;
	[tilespmem:$0x10200] =	vst v63  }
0x51: {  	s12 =	simm.s32 $0x8A00  }
0x52: {  	[hbm4b:s4+s3] =	stream.indirect_vreg.scatter [tilespmem:s12], [sflag:$0x4], $0x80, v4, vm0, $0xb8;
	[tilespmem:$0x10200] =	vst v63  }
0x53: {  	s18 =	simm.s32 $0x9200  }
0x54: {  	[hbm4b:s5+s3] =	stream.indirect_vreg.scatter [tilespmem:s18], [sflag:$0x4], $0x80, v4, vm0, $0xb8;
	[tilespmem:$0x10200] =	vst v63  }
0x55: {  	_ = 	snop  }
0x56: {  	[hbm4b:s6+s3] =	stream.indirect_vreg.scatter [tilespmem:s19], [sflag:$0x4], $0x80, v4, vm0, $0xb8;
	[tilespmem:$0x10200] =	vst v63  }
0x57: {  	_ = 	snop  }
0x58: {  	[hbm4b:s7+s3] =	stream.indirect_vreg.scatter [tilespmem:s20], [sflag:$0x4], $0x80, v4, vm0, $0xb8;
	[tilespmem:$0x10200] =	vst v63  }
0x59: {  	v3 =	vperm.xlane v3, v2  }
0x5a: {  	[hbm4b:s8+s3] =	stream.indirect_vreg.scatter [tilespmem:s21], [sflag:$0x4], $0x80, v4, vm0, $0xb8;
	[tilespmem:$0x10200] =	vst v63  }
0x5b: {  	v3 =	vadd.s32 v1, v3  }
0x5c: {  	[hbm4b:s9+s3] =	stream.indirect_vreg.scatter [tilespmem:s22], [sflag:$0x4], $0x80, v4, vm0, $0xb8;
	[tilespmem:$0x10200] =	vst v63  }
0x5d: {  	_ = 	snop  }
0x5e: {  	[hbm4b:s10+s3] =	stream.indirect_vreg.scatter [tilespmem:s23], [sflag:$0x4], $0x80, v4, vm0, $0xb8;
	[tilespmem:$0x10200] =	vst v63  }
0x5f: {  	_ = 	snop  }
0x60: {  	[hbm4b:s13+s3] =	stream.indirect_vreg.scatter [tilespmem:s24], [sflag:$0x4], $0x80, v3, vm0, $0xb8;
	[tilespmem:$0x10200] =	vst v63  }
0x61: {  	_ = 	snop  }
0x62: {  	[hbm4b:s4+s3] =	stream.indirect_vreg.scatter [tilespmem:s25], [sflag:$0x4], $0x80, v3, vm0, $0xb8;
	[tilespmem:$0x10200] =	vst v63  }
0x63: {  	_ = 	snop  }
0x64: {  	[hbm4b:s5+s3] =	stream.indirect_vreg.scatter [tilespmem:s26], [sflag:$0x4], $0x80, v3, vm0, $0xb8;
	[tilespmem:$0x10200] =	vst v63  }
0x65: {  	_ = 	snop  }
0x66: {  	[hbm4b:s6+s3] =	stream.indirect_vreg.scatter [tilespmem:s28], [sflag:$0x4], $0x80, v3, vm0, $0xb8;
	[tilespmem:$0x10200] =	vst v63  }
0x67: {  	_ = 	snop  }
0x68: {  	[hbm4b:s7+s3] =	stream.indirect_vreg.scatter [tilespmem:s29], [sflag:$0x4], $0x80, v3, vm0, $0xb8;
	[tilespmem:$0x10200] =	vst v63  }
0x69: {  	_ = 	snop  }
0x6a: {  	[hbm4b:s8+s3] =	stream.indirect_vreg.scatter [tilespmem:s30], [sflag:$0x4], $0x80, v3, vm0, $0xb8;
	[tilespmem:$0x10200] =	vst v63  }
0x6b: {  	_ = 	snop  }
0x6c: {  	[hbm4b:s9+s3] =	stream.indirect_vreg.scatter [tilespmem:s31], [sflag:$0x4], $0x80, v3, vm0, $0xb8;
	[tilespmem:$0x10200] =	vst v63  }
0x6d: {  	s17 =	simm.s32 $0xFA00  }
0x6e: {  	[hbm4b:s10+s3] =	stream.indirect_vreg.scatter [tilespmem:s17], [sflag:$0x4], $0x80, v3, vm0, $0xb8;
	[tilespmem:$0x10200] =	vst v63  }
0x6f: {  	_ =	swait.ge [sflag:s16], $0x8000  }
0x70: {  	[sflag:s16] =	ssyncset.done $0x0  }
0x71: {  	s17 =	rddreg [dreg:$0x7];
	[sflag:s16] =	ssyncadd.s32 $0xFFFF8000  }
0x72: {  	[tilespmem:s15], [sflag:$0x2] =	stream.linear.gather [hbm4b:s17+s3], $0x8000, $0x38;
	[tilespmem:$0x10200] =	vst v63  }
0x73: {  	_ =	swait.ge [sflag:s1], $0x8000  }
0x74: {  	[sflag:s1] =	ssyncset.done $0x0  }
0x75: {  	[sflag:s1] =	ssyncadd.s32 $0xFFFF8000  }
0x76: {  	v3 =	vld [tilespmem:$0x100];
	_ =	sdelay $0x4  }
0x77: {  	v62 =	vshll.u32 v3, $0x4  }
0x78: {  	v3 =	vand.u32 $0x7, v3;
	v4 =	vand.u32 $0xFFFFFF80, v62  }
0x79: {  	v3 =	vor.u32 v3, v4  }
0x7a: {  	v4 =	vperm.xlane v3, v0;
	_ =	sdelay $0x1  }
0x7b: {  	v4 =	vadd.s32 v1, v4;
	_ =	sdelay $0x4  }
0x7c: {  	[hbm4b:s13+s3] =	stream.indirect_vreg.scatter [tilespmem:s14], [sflag:$0x3], $0x80, v4, vm0, $0xb8;
	[tilespmem:$0x10200] =	vst v63  }
0x7d: {  	s17 =	simm.s32 $0xA00  }
0x7e: {  	[hbm4b:s4+s3] =	stream.indirect_vreg.scatter [tilespmem:s17], [sflag:$0x3], $0x80, v4, vm0, $0xb8;
	[tilespmem:$0x10200] =	vst v63  }
0x7f: {  	s17 =	simm.s32 $0x1200  }
0x80: {  	[hbm4b:s5+s3] =	stream.indirect_vreg.scatter [tilespmem:s17], [sflag:$0x3], $0x80, v4, vm0, $0xb8;
	[tilespmem:$0x10200] =	vst v63  }
0x81: {  	s17 =	simm.s32 $0x1A00  }
0x82: {  	[hbm4b:s6+s3] =	stream.indirect_vreg.scatter [tilespmem:s17], [sflag:$0x3], $0x80, v4, vm0, $0xb8;
	[tilespmem:$0x10200] =	vst v63  }
0x83: {  	s17 =	simm.s32 $0x2200  }
0x84: {  	[hbm4b:s7+s3] =	stream.indirect_vreg.scatter [tilespmem:s17], [sflag:$0x3], $0x80, v4, vm0, $0xb8;
	[tilespmem:$0x10200] =	vst v63  }
0x85: {  	v3 =	vperm.xlane v3, v2;
	s17 =	simm.s32 $0x2A00  }
0x86: {  	[hbm4b:s8+s3] =	stream.indirect_vreg.scatter [tilespmem:s17], [sflag:$0x3], $0x80, v4, vm0, $0xb8;
	[tilespmem:$0x10200] =	vst v63  }
0x87: {  	v3 =	vadd.s32 v1, v3;
	s17 =	simm.s32 $0x3200  }
0x88: {  	[hbm4b:s9+s3] =	stream.indirect_vreg.scatter [tilespmem:s17], [sflag:$0x3], $0x80, v4, vm0, $0xb8;
	[tilespmem:$0x10200] =	vst v63  }
0x89: {  	s17 =	simm.s32 $0x3A00  }
0x8a: {  	[hbm4b:s10+s3] =	stream.indirect_vreg.scatter [tilespmem:s17], [sflag:$0x3], $0x80, v4, vm0, $0xb8;
	[tilespmem:$0x10200] =	vst v63  }
0x8b: {  	s17 =	simm.s32 $0x4200  }
0x8c: {  	[hbm4b:s13+s3] =	stream.indirect_vreg.scatter [tilespmem:s17], [sflag:$0x3], $0x80, v3, vm0, $0xb8;
	[tilespmem:$0x10200] =	vst v63  }
0x8d: {  	s17 =	simm.s32 $0x4A00  }
0x8e: {  	[hbm4b:s4+s3] =	stream.indirect_vreg.scatter [tilespmem:s17], [sflag:$0x3], $0x80, v3, vm0, $0xb8;
	[tilespmem:$0x10200] =	vst v63  }
0x8f: {  	s17 =	simm.s32 $0x5200  }
0x90: {  	[hbm4b:s5+s3] =	stream.indirect_vreg.scatter [tilespmem:s17], [sflag:$0x3], $0x80, v3, vm0, $0xb8;
	[tilespmem:$0x10200] =	vst v63  }
0x91: {  	s17 =	simm.s32 $0x5A00  }
0x92: {  	[hbm4b:s6+s3] =	stream.indirect_vreg.scatter [tilespmem:s17], [sflag:$0x3], $0x80, v3, vm0, $0xb8;
	[tilespmem:$0x10200] =	vst v63  }
0x93: {  	s17 =	simm.s32 $0x6200  }
0x94: {  	[hbm4b:s7+s3] =	stream.indirect_vreg.scatter [tilespmem:s17], [sflag:$0x3], $0x80, v3, vm0, $0xb8;
	[tilespmem:$0x10200] =	vst v63  }
0x95: {  	s17 =	simm.s32 $0x6A00  }
0x96: {  	[hbm4b:s8+s3] =	stream.indirect_vreg.scatter [tilespmem:s17], [sflag:$0x3], $0x80, v3, vm0, $0xb8;
	[tilespmem:$0x10200] =	vst v63  }
0x97: {  	s17 =	simm.s32 $0x7200  }
0x98: {  	[hbm4b:s9+s3] =	stream.indirect_vreg.scatter [tilespmem:s17], [sflag:$0x3], $0x80, v3, vm0, $0xb8;
	[tilespmem:$0x10200] =	vst v63  }
0x99: {  	s17 =	simm.s32 $0x7A00  }
0x9a: {  	[hbm4b:s10+s3] =	stream.indirect_vreg.scatter [tilespmem:s17], [sflag:$0x3], $0x80, v3, vm0, $0xb8;
	[tilespmem:$0x10200] =	vst v63  }
0x9b: {  	_ =	swait.ge [sflag:s0], $0x8000  }
0x9c: {  	[sflag:s0] =	ssyncset.done $0x0  }
0x9d: {  	[sflag:s0] =	ssyncadd.s32 $0xFFFF8000  }
0x9e: {  	_ =	swait.ge [sflag:s2], $0x8000  }
0x9f: {  	[sflag:s2] =	ssyncset.done $0x0  }
0xa0: {  	[sflag:s2] =	ssyncadd.s32 $0xFFFF8000  }
0xa1: {  	v3 =	vld [tilespmem:$0x180];
	_ =	sdelay $0x4  }
0xa2: {  	v63 =	vshll.u32 v3, $0x4  }
0xa3: {  	v3 =	vand.u32 $0x7, v3;
	v4 =	vand.u32 $0xFFFFFF80, v63  }
0xa4: {  	v3 =	vor.u32 v3, v4  }
0xa5: {  	v4 =	vperm.xlane v3, v0;
	_ =	sdelay $0x1  }
0xa6: {  	v4 =	vadd.s32 v1, v4;
	_ =	sdelay $0x4  }
0xa7: {  	[hbm4b:s13+s3] =	stream.indirect_vreg.scatter [tilespmem:s15], [sflag:$0x4], $0x80, v4, vm0, $0xb8;
	[tilespmem:$0x10200] =	vst v63  }
0xa8: {  	_ = 	snop  }
0xa9: {  	[hbm4b:s4+s3] =	stream.indirect_vreg.scatter [tilespmem:s12], [sflag:$0x4], $0x80, v4, vm0, $0xb8;
	[tilespmem:$0x10200] =	vst v63  }
0xaa: {  	_ = 	snop  }
0xab: {  	[hbm4b:s5+s3] =	stream.indirect_vreg.scatter [tilespmem:s18], [sflag:$0x4], $0x80, v4, vm0, $0xb8;
	[tilespmem:$0x10200] =	vst v63  }
0xac: {  	_ = 	snop  }
0xad: {  	[hbm4b:s6+s3] =	stream.indirect_vreg.scatter [tilespmem:s19], [sflag:$0x4], $0x80, v4, vm0, $0xb8;
	[tilespmem:$0x10200] =	vst v63  }
0xae: {  	_ = 	snop  }
0xaf: {  	[hbm4b:s7+s3] =	stream.indirect_vreg.scatter [tilespmem:s20], [sflag:$0x4], $0x80, v4, vm0, $0xb8;
	[tilespmem:$0x10200] =	vst v63  }
0xb0: {  	v3 =	vperm.xlane v3, v2  }
0xb1: {  	[hbm4b:s8+s3] =	stream.indirect_vreg.scatter [tilespmem:s21], [sflag:$0x4], $0x80, v4, vm0, $0xb8;
	[tilespmem:$0x10200] =	vst v63  }
0xb2: {  	v3 =	vadd.s32 v1, v3  }
0xb3: {  	[hbm4b:s9+s3] =	stream.indirect_vreg.scatter [tilespmem:s22], [sflag:$0x4], $0x80, v4, vm0, $0xb8;
	[tilespmem:$0x10200] =	vst v63  }
0xb4: {  	_ = 	snop  }
0xb5: {  	[hbm4b:s10+s3] =	stream.indirect_vreg.scatter [tilespmem:s23], [sflag:$0x4], $0x80, v4, vm0, $0xb8;
	[tilespmem:$0x10200] =	vst v63  }
0xb6: {  	_ = 	snop  }
0xb7: {  	[hbm4b:s13+s3] =	stream.indirect_vreg.scatter [tilespmem:s24], [sflag:$0x4], $0x80, v3, vm0, $0xb8;
	[tilespmem:$0x10200] =	vst v63  }
0xb8: {  	_ = 	snop  }
0xb9: {  	[hbm4b:s4+s3] =	stream.indirect_vreg.scatter [tilespmem:s25], [sflag:$0x4], $0x80, v3, vm0, $0xb8;
	[tilespmem:$0x10200] =	vst v63  }
0xba: {  	_ = 	snop  }
0xbb: {  	[hbm4b:s5+s3] =	stream.indirect_vreg.scatter [tilespmem:s26], [sflag:$0x4], $0x80, v3, vm0, $0xb8;
	[tilespmem:$0x10200] =	vst v63  }
0xbc: {  	_ = 	snop  }
0xbd: {  	[hbm4b:s6+s3] =	stream.indirect_vreg.scatter [tilespmem:s28], [sflag:$0x4], $0x80, v3, vm0, $0xb8;
	[tilespmem:$0x10200] =	vst v63  }
0xbe: {  	_ = 	snop  }
0xbf: {  	[hbm4b:s7+s3] =	stream.indirect_vreg.scatter [tilespmem:s29], [sflag:$0x4], $0x80, v3, vm0, $0xb8;
	[tilespmem:$0x10200] =	vst v63  }
0xc0: {  	_ = 	snop  }
0xc1: {  	[hbm4b:s8+s3] =	stream.indirect_vreg.scatter [tilespmem:s30], [sflag:$0x4], $0x80, v3, vm0, $0xb8;
	[tilespmem:$0x10200] =	vst v63  }
0xc2: {  	p0 =	sne.s32 s11, $0x1  }
0xc3: {  	[hbm4b:s9+s3] =	stream.indirect_vreg.scatter [tilespmem:s31], [sflag:$0x4], $0x80, v3, vm0, $0xb8;
	[tilespmem:$0x10200] =	vst v63  }
.Ltmp0:
0xc4: {  	s18 =	simm.s32 $0xFA00;
	(pc) =	sbr.rel @p0 .LBB2_1-.Ltmp0, $4  }
0xc5: {  	[hbm4b:s10+s3] =	stream.indirect_vreg.scatter [tilespmem:s18], [sflag:$0x4], $0x80, v3, vm0, $0xb8;
	[tilespmem:$0x10200] =	vst v63  }
0xc6: {  	_ =	swait.ge [sflag:s16], $0x8000  }
0xc7: {  	[sflag:s16] =	ssyncset.done $0x0  }
0xc8: {  	s11 =	sadd.s32 $0xFFFFFFFF, s11;
	[sflag:s16] =	ssyncadd.s32 $0xFFFF8000  }
0xc9: {  	_ =	sfence.sel $0x180000  }
0xca: {  	[bflag:$0x0] =	sbarrier.arrive $0xFFFF  }
0xcb: {  	_ =	strace $0x9000004D  }
0xcc: {  	s0 =	stileid.u32;
	[bflag:$0x2] =	sbarrier.arrive $0xFFFF  }
0xcd: {  	p0 =	sne.s32 s0, $0x0;
	s0 =	rddreg [dreg:$0x2]  }
0xce: {  	s0 =	sadd.s32 @!p0 $0x100000, s0  }
0xcf: {  	[sflag:s0] =	ssyncadd.tile.s32 @!p0 $0x1;
	_ =	shalt  }
.Lfunc_end2:
_tile_overlayer_lowered:
.L_overlay_start_2:
0xd0: {  	(tag) =	ssettag $0x2  }
0xd1: {  	s0 =	rddreg [dreg:$0x0];
	s2 =	stileid.u32  }
0xd2: {  	s1 =	rddreg [dreg:$0x1];
	p0 =	sne.s32 s2, $0x0  }
0xd3: {  	s3 =	rddreg [dreg:$0x2];
	[bflag:$0x3] =	sbarrier.arrive $0xFFFF;
	s2 =	simm.s32 @!p0 $0x1C05  }
0xd4: {  	[timem:s3], [sflag:s2] =	dma.local @!p0 [hbm:s0], s1  }
0xd5: {  	s0 =	simm.s32 @!p0 $0x5  }
0xd6: {  	_ =	swait.ge @!p0 [sflag:s0], s1  }
0xd7: {  	s1 =	ssub.s32 @!p0 $0x0, s1;
	[sflag:s0] =	ssyncset.done @!p0 $0x0  }
0xd8: {  	[sflag:s0] =	ssyncadd.s32 @!p0 s1  }
0xd9: {  	[bflag:$0x3] =	sbarrier.arrive $0xFFFF  }
0xda: {  	_ =	shalt  }

</sc_bundles>
